<compile_context>
chip_gen: v7x
topology: tpu7x:2x2x1
jax: 0.10.2.dev20260603
libtpu: 0.0.44.dev20260713+nightly
codegen_flags: <defaults>
</compile_context>

<pallas_src>
import functools

import jax
import jax.numpy as jnp
from jax import lax
from jax.experimental import pallas as pl
from jax.experimental.pallas import tpu as pltpu
from jax.experimental.pallas import tpu_sc as plsc

N = 320000
D = 128
NSEG = 10000
NSEG_PAD = 10240

NC = 2
NS = 16
L = 16

SCAN = N // NS
OUT = N // (NC * NS)
COLS = NSEG_PAD // NS

TC_ROWS = 16000
PIECES = 5
PIECE = SCAN // PIECES

def _tc_logit_body(feat_ref, g_ref, out_ref):
    i = pl.program_id(0)
    x = feat_ref[...]
    g = g_ref[...]
    z = lax.dot_general(g, x, (((1,), (1,)), ((), ())),
                        preferred_element_type=jnp.float32)
    out_ref[pl.ds(i * TC_ROWS, TC_ROWS)] = jnp.exp(z).reshape(TC_ROWS)

def _compute_logit(features, gamma_w):
    grid = N // TC_ROWS
    return pl.pallas_call(
        _tc_logit_body,
        grid=(grid,),
        in_specs=[
            pl.BlockSpec((TC_ROWS, D), lambda i: (i, 0)),
            pl.BlockSpec((1, D), lambda i: (0, 0)),
        ],
        out_specs=pl.BlockSpec((N,), lambda i: (0,)),
        out_shape=jax.ShapeDtypeStruct((N,), jnp.float32),
    )(features, gamma_w)

def _sc_seg_body(logit_hbm, pid_hbm, out_hbm,
                 ids_buf, lg_buf, box, tmp, acc, out_buf,
                 shared_all, shared_gbox, sems_lg, sems_id):
    s = lax.axis_index("s")
    cid = lax.axis_index("c")
    scan_base = s * SCAN
    off = cid * OUT
    out_base = scan_base + off

    cps = []
    for p in range(PIECES):
        pb = p * PIECE
        cps.append((
            pltpu.async_copy(logit_hbm.at[pl.ds(scan_base + pb, PIECE)],
                             lg_buf.at[pl.ds(pb, PIECE)], sems_lg[p]),
            pltpu.async_copy(pid_hbm.at[pl.ds(scan_base + pb, PIECE)],
                             ids_buf.at[pl.ds(L + pb, PIECE)], sems_id[p]),
        ))

    zero = jnp.zeros((L,), jnp.float32)

    @plsc.parallel_loop(0, NSEG_PAD // L, unroll=8)
    def zero_body(i):
        box[pl.ds(i * L, L)] = zero

    lane = lax.iota(jnp.int32, L)
    is_first = lane == 0
    is_last = lane == L - 1

    for p in range(PIECES):
        cps[p][0].wait()
        cps[p][1].wait()
        pb = p * PIECE

        @plsc.parallel_loop(pb // L, (pb + PIECE) // L, unroll=8)
        def scan_body(i):
            base = i * L
            v = lg_buf[pl.ds(base, L)]
            ids = ids_buf[pl.ds(L + base, L)]
            ids_prev = ids_buf[pl.ds(L - 1 + base, L)]
            ids_next = ids_buf[pl.ds(L + 1 + base, L)]
            c = plsc.cumsum(v)
            end_m = (ids != ids_next) | is_last
            start_m = (ids != ids_prev) | is_first
            plsc.addupdate_scatter(box, [ids], c, mask=end_m)
            plsc.addupdate_scatter(box, [ids], v - c, mask=start_m)

    pltpu.sync_copy(box, shared_all.at[s])
    plsc.subcore_barrier()

    col0 = s * COLS
    pltpu.sync_copy(shared_all.at[:, pl.ds(col0, COLS)], tmp)

    one = jnp.ones((L,), jnp.float32)

    @plsc.parallel_loop(0, COLS // L, unroll=2)
    def red_body(j):
        jb = j * L
        vec = tmp[0, pl.ds(jb, L)]
        for r in range(1, NS):
            vec = vec + tmp[r, pl.ds(jb, L)]
        acc[pl.ds(jb, L)] = one / vec
    pltpu.sync_copy(acc, shared_gbox.at[pl.ds(col0, COLS)])
    plsc.subcore_barrier()

    pltpu.sync_copy(shared_gbox, box)

    @plsc.parallel_loop(0, OUT // L, unroll=4)
    def norm_body(i):
        base = off + i * L
        ids = ids_buf[pl.ds(L + base, L)]
        v = lg_buf[pl.ds(base, L)]
        g = plsc.load_gather(box, [ids])
        out_buf[pl.ds(i * L, L)] = v * g
    pltpu.sync_copy(out_buf, out_hbm.at[pl.ds(out_base, OUT)])

@jax.jit
def kernel(features, phrase_id, unique_phrase, gamma_w):
    logit = _compute_logit(features, gamma_w)
    mesh = plsc.VectorSubcoreMesh(
        core_axis_name="c", subcore_axis_name="s",
        num_cores=NC, num_subcores=NS)
    sc_kernel = functools.partial(
        pl.kernel,
        out_type=jax.ShapeDtypeStruct((N,), jnp.float32),
        mesh=mesh,
        compiler_params=pltpu.CompilerParams(needs_layout_passes=False),
        scratch_types=[
            pltpu.VMEM((SCAN + 2 * L,), jnp.int32),
            pltpu.VMEM((SCAN,), jnp.float32),
            pltpu.VMEM((NSEG_PAD,), jnp.float32),
            pltpu.VMEM((NS, COLS), jnp.float32),
            pltpu.VMEM((COLS,), jnp.float32),
            pltpu.VMEM((OUT,), jnp.float32),
            pltpu.VMEM_SHARED((NS, NSEG_PAD), jnp.float32),
            pltpu.VMEM_SHARED((NSEG_PAD,), jnp.float32),
            [pltpu.SemaphoreType.DMA] * PIECES,
            [pltpu.SemaphoreType.DMA] * PIECES,
        ],
    )(_sc_seg_body)
    weights = sc_kernel(logit, phrase_id)
    return weights[:, None]

# --- scband reference (transcript-rebuilt; emitter-appended) ---
"""Pipeline reference for scband-weights-31490700215135 (READ-ONLY COPY).

The authoritative reference and input builder live on the scoring server;
editing this copy changes nothing except your own understanding.
"""

import jax, jax.numpy as jnp
import numpy as np

N = 320000
D = 128
NUM_SEG = 10000


def setup_inputs(seed: int = 0) -> dict:
    key = jax.random.key(seed)
    k1, k2, k3 = jax.random.split(key, 3)
    features = jax.random.normal(k1, (N, D), dtype=jnp.float32)
    phrase_id = jnp.sort(jax.random.randint(k2, (N,), 0, NUM_SEG, dtype=jnp.int32))
    unique_phrase = jnp.arange(NUM_SEG, dtype=jnp.int32)
    # learned parameter: nn.Linear(in_features=128, out_features=1, bias=False)
    gamma_w = jax.random.normal(k3, (1, D), dtype=jnp.float32) * 0.05
    return {"features": features, "phrase_id": phrase_id, "unique_phrase": unique_phrase, "gamma_w": gamma_w}


def reference(features, phrase_id, unique_phrase, gamma_w):
    # logit = exp(gamma(features)).reshape(-1)
    logit = jnp.exp(jnp.matmul(features, gamma_w.T).reshape(-1))
    # box = zeros_like(unique_phrase, float); scatter_add over segment ids
    box = jnp.zeros(unique_phrase.shape[0], dtype=jnp.float32)
    box = box.at[phrase_id].add(logit)
    # gather partition function back per element
    logit_partition = box[phrase_id]
    weights = logit / logit_partition
    return weights[:, None]

if __name__ == "__main__":
    import jax
    _d = setup_inputs()
    print(jax.jit(kernel)(*tuple(_d.values())))

</pallas_src>

<mosaic_0001>
#map = affine_map<(d0, d1) -> (0)>
module attributes {stable_mosaic.version = 14 : i64} {
  func.func @_sc_seg_body(%arg0: i32, %arg1: i32, %arg2: memref<320000xf32, #tpu.memory_space<hbm>>, %arg3: memref<320000xi32, #tpu.memory_space<hbm>>, %arg4: memref<320000xf32, #tpu.memory_space<hbm>>, %arg5: memref<20032xi32, #tpu.memory_space<vmem>>, %arg6: memref<20000xf32, #tpu.memory_space<vmem>>, %arg7: memref<10240xf32, #tpu.memory_space<vmem>>, %arg8: memref<16x640xf32, #tpu.memory_space<vmem>>, %arg9: memref<640xf32, #tpu.memory_space<vmem>>, %arg10: memref<10000xf32, #tpu.memory_space<vmem>>, %arg11: memref<16x10240xf32, #tpu.memory_space<vmem_shared>>, %arg12: memref<10240xf32, #tpu.memory_space<vmem_shared>>, %arg13: memref<!tpu.dma_semaphore, #tpu.memory_space<semaphore_mem>>, %arg14: memref<!tpu.dma_semaphore, #tpu.memory_space<semaphore_mem>>, %arg15: memref<!tpu.dma_semaphore, #tpu.memory_space<semaphore_mem>>, %arg16: memref<!tpu.dma_semaphore, #tpu.memory_space<semaphore_mem>>, %arg17: memref<!tpu.dma_semaphore, #tpu.memory_space<semaphore_mem>>, %arg18: memref<!tpu.dma_semaphore, #tpu.memory_space<semaphore_mem>>, %arg19: memref<!tpu.dma_semaphore, #tpu.memory_space<semaphore_mem>>, %arg20: memref<!tpu.dma_semaphore, #tpu.memory_space<semaphore_mem>>, %arg21: memref<!tpu.dma_semaphore, #tpu.memory_space<semaphore_mem>>, %arg22: memref<!tpu.dma_semaphore, #tpu.memory_space<semaphore_mem>>) attributes {dimension_semantics = [#tpu.dimension_semantics<core_parallel>, #tpu.dimension_semantics<subcore_parallel>], iteration_bounds = array<i64: 2, 16>, scalar_prefetch = 0 : i64, scratch_operands = 18 : i64, tpu.core_type = #tpu.core_type<sc_vector_subcore>, window_params = [{transform_indices = #map}, {transform_indices = #map}, {transform_indices = #map}]} {
    %mul3A = arith.constant 20000 : i32
    %mul3A_0 = arith.muli %arg1, %mul3A : i32
    %mul3A_1 = arith.constant 10000 : i32
    %mul3A_2 = arith.muli %arg0, %mul3A_1 : i32
    %add3A = arith.addi %mul3A_0, %mul3A_2 : i32
    %add3A_3 = arith.constant 0 : i32
    %add3A_4 = arith.addi %mul3A_0, %add3A_3 : i32
    %dma_start3A = arith.constant 0 : i32
    %dma_start3A_5 = tpu.memref_slice %arg6[%dma_start3A] : memref<20000xf32, #tpu.memory_space<vmem>> -> memref<4000xf32, #tpu.memory_space<vmem>>
    %dma_start3A_6 = tpu.memref_slice %arg2[%add3A_4] : memref<320000xf32, #tpu.memory_space<hbm>> -> memref<4000xf32, #tpu.memory_space<hbm>>
    %dma_start3A_7 = arith.constant 0 : i32
    %dma_start3A_8 = tpu.memref_slice %arg6[%dma_start3A_7] : memref<20000xf32, #tpu.memory_space<vmem>> -> memref<4000xf32, #tpu.memory_space<vmem>>
    %dma_start3A_9 = tpu.memref_slice %arg2[%add3A_4] : memref<320000xf32, #tpu.memory_space<hbm>> -> memref<4000xf32, #tpu.memory_space<hbm>>
    tpu.enqueue_dma source(%dma_start3A_9 : memref<4000xf32, #tpu.memory_space<hbm>>) target(%dma_start3A_8 : memref<4000xf32, #tpu.memory_space<vmem>>) target_semaphore(%arg13 : memref<!tpu.dma_semaphore, #tpu.memory_space<semaphore_mem>>)
    %add3A_10 = arith.constant 0 : i32
    %add3A_11 = arith.addi %mul3A_0, %add3A_10 : i32
    %dma_start3A_12 = arith.constant 16 : i32
    %dma_start3A_13 = tpu.memref_slice %arg5[%dma_start3A_12] : memref<20032xi32, #tpu.memory_space<vmem>> -> memref<4000xi32, #tpu.memory_space<vmem>>
    %dma_start3A_14 = tpu.memref_slice %arg3[%add3A_11] : memref<320000xi32, #tpu.memory_space<hbm>> -> memref<4000xi32, #tpu.memory_space<hbm>>
    %dma_start3A_15 = arith.constant 16 : i32
    %dma_start3A_16 = tpu.memref_slice %arg5[%dma_start3A_15] : memref<20032xi32, #tpu.memory_space<vmem>> -> memref<4000xi32, #tpu.memory_space<vmem>>
    %dma_start3A_17 = tpu.memref_slice %arg3[%add3A_11] : memref<320000xi32, #tpu.memory_space<hbm>> -> memref<4000xi32, #tpu.memory_space<hbm>>
    tpu.enqueue_dma source(%dma_start3A_17 : memref<4000xi32, #tpu.memory_space<hbm>>) target(%dma_start3A_16 : memref<4000xi32, #tpu.memory_space<vmem>>) target_semaphore(%arg18 : memref<!tpu.dma_semaphore, #tpu.memory_space<semaphore_mem>>)
    %add3A_18 = arith.constant 4000 : i32
    %add3A_19 = arith.addi %mul3A_0, %add3A_18 : i32
    %dma_start3A_20 = arith.constant 4000 : i32
    %dma_start3A_21 = tpu.memref_slice %arg6[%dma_start3A_20] : memref<20000xf32, #tpu.memory_space<vmem>> -> memref<4000xf32, #tpu.memory_space<vmem>>
    %dma_start3A_22 = tpu.memref_slice %arg2[%add3A_19] : memref<320000xf32, #tpu.memory_space<hbm>> -> memref<4000xf32, #tpu.memory_space<hbm>>
    %dma_start3A_23 = arith.constant 4000 : i32
    %dma_start3A_24 = tpu.memref_slice %arg6[%dma_start3A_23] : memref<20000xf32, #tpu.memory_space<vmem>> -> memref<4000xf32, #tpu.memory_space<vmem>>
    %dma_start3A_25 = tpu.memref_slice %arg2[%add3A_19] : memref<320000xf32, #tpu.memory_space<hbm>> -> memref<4000xf32, #tpu.memory_space<hbm>>
    tpu.enqueue_dma source(%dma_start3A_25 : memref<4000xf32, #tpu.memory_space<hbm>>) target(%dma_start3A_24 : memref<4000xf32, #tpu.memory_space<vmem>>) target_semaphore(%arg14 : memref<!tpu.dma_semaphore, #tpu.memory_space<semaphore_mem>>)
    %add3A_26 = arith.constant 4000 : i32
    %add3A_27 = arith.addi %mul3A_0, %add3A_26 : i32
    %dma_start3A_28 = arith.constant 4016 : i32
    %dma_start3A_29 = tpu.memref_slice %arg5[%dma_start3A_28] : memref<20032xi32, #tpu.memory_space<vmem>> -> memref<4000xi32, #tpu.memory_space<vmem>>
    %dma_start3A_30 = tpu.memref_slice %arg3[%add3A_27] : memref<320000xi32, #tpu.memory_space<hbm>> -> memref<4000xi32, #tpu.memory_space<hbm>>
    %dma_start3A_31 = arith.constant 4016 : i32
    %dma_start3A_32 = tpu.memref_slice %arg5[%dma_start3A_31] : memref<20032xi32, #tpu.memory_space<vmem>> -> memref<4000xi32, #tpu.memory_space<vmem>>
    %dma_start3A_33 = tpu.memref_slice %arg3[%add3A_27] : memref<320000xi32, #tpu.memory_space<hbm>> -> memref<4000xi32, #tpu.memory_space<hbm>>
    tpu.enqueue_dma source(%dma_start3A_33 : memref<4000xi32, #tpu.memory_space<hbm>>) target(%dma_start3A_32 : memref<4000xi32, #tpu.memory_space<vmem>>) target_semaphore(%arg19 : memref<!tpu.dma_semaphore, #tpu.memory_space<semaphore_mem>>)
    %add3A_34 = arith.constant 8000 : i32
    %add3A_35 = arith.addi %mul3A_0, %add3A_34 : i32
    %dma_start3A_36 = arith.constant 8000 : i32
    %dma_start3A_37 = tpu.memref_slice %arg6[%dma_start3A_36] : memref<20000xf32, #tpu.memory_space<vmem>> -> memref<4000xf32, #tpu.memory_space<vmem>>
    %dma_start3A_38 = tpu.memref_slice %arg2[%add3A_35] : memref<320000xf32, #tpu.memory_space<hbm>> -> memref<4000xf32, #tpu.memory_space<hbm>>
    %dma_start3A_39 = arith.constant 8000 : i32
    %dma_start3A_40 = tpu.memref_slice %arg6[%dma_start3A_39] : memref<20000xf32, #tpu.memory_space<vmem>> -> memref<4000xf32, #tpu.memory_space<vmem>>
    %dma_start3A_41 = tpu.memref_slice %arg2[%add3A_35] : memref<320000xf32, #tpu.memory_space<hbm>> -> memref<4000xf32, #tpu.memory_space<hbm>>
    tpu.enqueue_dma source(%dma_start3A_41 : memref<4000xf32, #tpu.memory_space<hbm>>) target(%dma_start3A_40 : memref<4000xf32, #tpu.memory_space<vmem>>) target_semaphore(%arg15 : memref<!tpu.dma_semaphore, #tpu.memory_space<semaphore_mem>>)
    %add3A_42 = arith.constant 8000 : i32
    %add3A_43 = arith.addi %mul3A_0, %add3A_42 : i32
    %dma_start3A_44 = arith.constant 8016 : i32
    %dma_start3A_45 = tpu.memref_slice %arg5[%dma_start3A_44] : memref<20032xi32, #tpu.memory_space<vmem>> -> memref<4000xi32, #tpu.memory_space<vmem>>
    %dma_start3A_46 = tpu.memref_slice %arg3[%add3A_43] : memref<320000xi32, #tpu.memory_space<hbm>> -> memref<4000xi32, #tpu.memory_space<hbm>>
    %dma_start3A_47 = arith.constant 8016 : i32
    %dma_start3A_48 = tpu.memref_slice %arg5[%dma_start3A_47] : memref<20032xi32, #tpu.memory_space<vmem>> -> memref<4000xi32, #tpu.memory_space<vmem>>
    %dma_start3A_49 = tpu.memref_slice %arg3[%add3A_43] : memref<320000xi32, #tpu.memory_space<hbm>> -> memref<4000xi32, #tpu.memory_space<hbm>>
    tpu.enqueue_dma source(%dma_start3A_49 : memref<4000xi32, #tpu.memory_space<hbm>>) target(%dma_start3A_48 : memref<4000xi32, #tpu.memory_space<vmem>>) target_semaphore(%arg20 : memref<!tpu.dma_semaphore, #tpu.memory_space<semaphore_mem>>)
    %add3A_50 = arith.constant 12000 : i32
    %add3A_51 = arith.addi %mul3A_0, %add3A_50 : i32
    %dma_start3A_52 = arith.constant 12000 : i32
    %dma_start3A_53 = tpu.memref_slice %arg6[%dma_start3A_52] : memref<20000xf32, #tpu.memory_space<vmem>> -> memref<4000xf32, #tpu.memory_space<vmem>>
    %dma_start3A_54 = tpu.memref_slice %arg2[%add3A_51] : memref<320000xf32, #tpu.memory_space<hbm>> -> memref<4000xf32, #tpu.memory_space<hbm>>
    %dma_start3A_55 = arith.constant 12000 : i32
    %dma_start3A_56 = tpu.memref_slice %arg6[%dma_start3A_55] : memref<20000xf32, #tpu.memory_space<vmem>> -> memref<4000xf32, #tpu.memory_space<vmem>>
    %dma_start3A_57 = tpu.memref_slice %arg2[%add3A_51] : memref<320000xf32, #tpu.memory_space<hbm>> -> memref<4000xf32, #tpu.memory_space<hbm>>
    tpu.enqueue_dma source(%dma_start3A_57 : memref<4000xf32, #tpu.memory_space<hbm>>) target(%dma_start3A_56 : memref<4000xf32, #tpu.memory_space<vmem>>) target_semaphore(%arg16 : memref<!tpu.dma_semaphore, #tpu.memory_space<semaphore_mem>>)
    %add3A_58 = arith.constant 12000 : i32
    %add3A_59 = arith.addi %mul3A_0, %add3A_58 : i32
    %dma_start3A_60 = arith.constant 12016 : i32
    %dma_start3A_61 = tpu.memref_slice %arg5[%dma_start3A_60] : memref<20032xi32, #tpu.memory_space<vmem>> -> memref<4000xi32, #tpu.memory_space<vmem>>
    %dma_start3A_62 = tpu.memref_slice %arg3[%add3A_59] : memref<320000xi32, #tpu.memory_space<hbm>> -> memref<4000xi32, #tpu.memory_space<hbm>>
    %dma_start3A_63 = arith.constant 12016 : i32
    %dma_start3A_64 = tpu.memref_slice %arg5[%dma_start3A_63] : memref<20032xi32, #tpu.memory_space<vmem>> -> memref<4000xi32, #tpu.memory_space<vmem>>
    %dma_start3A_65 = tpu.memref_slice %arg3[%add3A_59] : memref<320000xi32, #tpu.memory_space<hbm>> -> memref<4000xi32, #tpu.memory_space<hbm>>
    tpu.enqueue_dma source(%dma_start3A_65 : memref<4000xi32, #tpu.memory_space<hbm>>) target(%dma_start3A_64 : memref<4000xi32, #tpu.memory_space<vmem>>) target_semaphore(%arg21 : memref<!tpu.dma_semaphore, #tpu.memory_space<semaphore_mem>>)
    %add3A_66 = arith.constant 16000 : i32
    %add3A_67 = arith.addi %mul3A_0, %add3A_66 : i32
    %dma_start3A_68 = arith.constant 16000 : i32
    %dma_start3A_69 = tpu.memref_slice %arg6[%dma_start3A_68] : memref<20000xf32, #tpu.memory_space<vmem>> -> memref<4000xf32, #tpu.memory_space<vmem>>
    %dma_start3A_70 = tpu.memref_slice %arg2[%add3A_67] : memref<320000xf32, #tpu.memory_space<hbm>> -> memref<4000xf32, #tpu.memory_space<hbm>>
    %dma_start3A_71 = arith.constant 16000 : i32
    %dma_start3A_72 = tpu.memref_slice %arg6[%dma_start3A_71] : memref<20000xf32, #tpu.memory_space<vmem>> -> memref<4000xf32, #tpu.memory_space<vmem>>
    %dma_start3A_73 = tpu.memref_slice %arg2[%add3A_67] : memref<320000xf32, #tpu.memory_space<hbm>> -> memref<4000xf32, #tpu.memory_space<hbm>>
    tpu.enqueue_dma source(%dma_start3A_73 : memref<4000xf32, #tpu.memory_space<hbm>>) target(%dma_start3A_72 : memref<4000xf32, #tpu.memory_space<vmem>>) target_semaphore(%arg17 : memref<!tpu.dma_semaphore, #tpu.memory_space<semaphore_mem>>)
    %add3A_74 = arith.constant 16000 : i32
    %add3A_75 = arith.addi %mul3A_0, %add3A_74 : i32
    %dma_start3A_76 = arith.constant 16016 : i32
    %dma_start3A_77 = tpu.memref_slice %arg5[%dma_start3A_76] : memref<20032xi32, #tpu.memory_space<vmem>> -> memref<4000xi32, #tpu.memory_space<vmem>>
    %dma_start3A_78 = tpu.memref_slice %arg3[%add3A_75] : memref<320000xi32, #tpu.memory_space<hbm>> -> memref<4000xi32, #tpu.memory_space<hbm>>
    %dma_start3A_79 = arith.constant 16016 : i32
    %dma_start3A_80 = tpu.memref_slice %arg5[%dma_start3A_79] : memref<20032xi32, #tpu.memory_space<vmem>> -> memref<4000xi32, #tpu.memory_space<vmem>>
    %dma_start3A_81 = tpu.memref_slice %arg3[%add3A_75] : memref<320000xi32, #tpu.memory_space<hbm>> -> memref<4000xi32, #tpu.memory_space<hbm>>
    tpu.enqueue_dma source(%dma_start3A_81 : memref<4000xi32, #tpu.memory_space<hbm>>) target(%dma_start3A_80 : memref<4000xi32, #tpu.memory_space<vmem>>) target_semaphore(%arg22 : memref<!tpu.dma_semaphore, #tpu.memory_space<semaphore_mem>>)
    %broadcast_in_dim3A = arith.constant 0.000000e+00 : f32
    %broadcast_in_dim3A_82 = vector.broadcast %broadcast_in_dim3A : f32 to vector<16xf32>
    %parallel_loop3A = arith.constant 0 : i32
    %parallel_loop3A_83 = arith.constant 640 : i32
    %parallel_loop3A_84 = arith.constant 1 : i32
    scf.for %parallel_loop3A_175 = %parallel_loop3A to %parallel_loop3A_83 step %parallel_loop3A_84  : i32 {
      %parallel_loop3A_176 = arith.constant 16 : i32
      %parallel_loop3A_177 = arith.muli %parallel_loop3A_175, %parallel_loop3A_176 : i32
      %parallel_loop3A_178 = arith.index_cast %parallel_loop3A_177 : i32 to index
      %parallel_loop3A_179 = tpu.vector_load %arg7[%parallel_loop3A_178] {strides = array<i32>} : memref<10240xf32, #tpu.memory_space<vmem>>, vector<16xf32>,
      tpu.vector_store %arg7[%parallel_loop3A_178], %broadcast_in_dim3A_82 {strides = array<i32>} : memref<10240xf32, #tpu.memory_space<vmem>>, vector<16xf32>,
    } {sc.loop_unroll_factor = 8 : i64, sc.parallel_access}
    %iota3A = tpu.iota {dimensions = array<i32: 0>} : vector<16xi32>
    %eq3A = arith.constant 0 : i32
    %eq3A_85 = vector.broadcast %eq3A : i32 to vector<16xi32>
    %eq3A_86 = arith.cmpi eq, %iota3A, %eq3A_85 : vector<16xi32>
    %eq3A_87 = arith.constant 15 : i32
    %eq3A_88 = vector.broadcast %eq3A_87 : i32 to vector<16xi32>
    %eq3A_89 = arith.cmpi eq, %iota3A, %eq3A_88 : vector<16xi32>
    %dma_wait3A = arith.constant 0 : i32
    %dma_wait3A_90 = tpu.memref_slice %arg6[%dma_wait3A] : memref<20000xf32, #tpu.memory_space<vmem>> -> memref<4000xf32, #tpu.memory_space<vmem>>
    %dma_wait3A_91 = tpu.memref_slice %arg2[%add3A_4] : memref<320000xf32, #tpu.memory_space<hbm>> -> memref<4000xf32, #tpu.memory_space<hbm>>
    %dma_wait3A_92 = arith.constant 0 : i32
    %dma_wait3A_93 = tpu.memref_slice %arg6[%dma_wait3A_92] : memref<20000xf32, #tpu.memory_space<vmem>> -> memref<4000xf32, #tpu.memory_space<vmem>>
    %dma_wait3A_94 = tpu.memref_slice %arg2[%add3A_4] : memref<320000xf32, #tpu.memory_space<hbm>> -> memref<4000xf32, #tpu.memory_space<hbm>>
    tpu.wait_dma2 semaphore(%arg13 : memref<!tpu.dma_semaphore, #tpu.memory_space<semaphore_mem>>) src(%dma_wait3A_94 : memref<4000xf32, #tpu.memory_space<hbm>>) dst(%dma_wait3A_93 : memref<4000xf32, #tpu.memory_space<vmem>>)
    %dma_wait3A_95 = arith.constant 16 : i32
    %dma_wait3A_96 = tpu.memref_slice %arg5[%dma_wait3A_95] : memref<20032xi32, #tpu.memory_space<vmem>> -> memref<4000xi32, #tpu.memory_space<vmem>>
    %dma_wait3A_97 = tpu.memref_slice %arg3[%add3A_11] : memref<320000xi32, #tpu.memory_space<hbm>> -> memref<4000xi32, #tpu.memory_space<hbm>>
    %dma_wait3A_98 = arith.constant 16 : i32
    %dma_wait3A_99 = tpu.memref_slice %arg5[%dma_wait3A_98] : memref<20032xi32, #tpu.memory_space<vmem>> -> memref<4000xi32, #tpu.memory_space<vmem>>
    %dma_wait3A_100 = tpu.memref_slice %arg3[%add3A_11] : memref<320000xi32, #tpu.memory_space<hbm>> -> memref<4000xi32, #tpu.memory_space<hbm>>
    tpu.wait_dma2 semaphore(%arg18 : memref<!tpu.dma_semaphore, #tpu.memory_space<semaphore_mem>>) src(%dma_wait3A_100 : memref<4000xi32, #tpu.memory_space<hbm>>) dst(%dma_wait3A_99 : memref<4000xi32, #tpu.memory_space<vmem>>)
    %parallel_loop3A_101 = arith.constant 0 : i32
    %parallel_loop3A_102 = arith.constant 250 : i32
    %parallel_loop3A_103 = arith.constant 1 : i32
    scf.for %parallel_loop3A_175 = %parallel_loop3A_101 to %parallel_loop3A_102 step %parallel_loop3A_103  : i32 {
      %parallel_loop3A_176 = arith.constant 16 : i32
      %parallel_loop3A_177 = arith.muli %parallel_loop3A_175, %parallel_loop3A_176 : i32
      %parallel_loop3A_178 = arith.index_cast %parallel_loop3A_177 : i32 to index
      %parallel_loop3A_179 = tpu.vector_load %arg6[%parallel_loop3A_178] {strides = array<i32>} : memref<20000xf32, #tpu.memory_space<vmem>>, vector<16xf32>,
      %parallel_loop3A_180 = arith.constant 16 : i32
      %parallel_loop3A_181 = arith.addi %parallel_loop3A_180, %parallel_loop3A_177 : i32
      %parallel_loop3A_182 = arith.index_cast %parallel_loop3A_181 : i32 to index
      %parallel_loop3A_183 = tpu.vector_load %arg5[%parallel_loop3A_182] {strides = array<i32>} : memref<20032xi32, #tpu.memory_space<vmem>>, vector<16xi32>,
      %parallel_loop3A_184 = arith.constant 15 : i32
      %parallel_loop3A_185 = arith.addi %parallel_loop3A_184, %parallel_loop3A_177 : i32
      %parallel_loop3A_186 = arith.index_cast %parallel_loop3A_185 : i32 to index
      %parallel_loop3A_187 = tpu.vector_load %arg5[%parallel_loop3A_186] {strides = array<i32>} : memref<20032xi32, #tpu.memory_space<vmem>>, vector<16xi32>,
      %parallel_loop3A_188 = arith.constant 17 : i32
      %parallel_loop3A_189 = arith.addi %parallel_loop3A_188, %parallel_loop3A_177 : i32
      %parallel_loop3A_190 = arith.index_cast %parallel_loop3A_189 : i32 to index
      %parallel_loop3A_191 = tpu.vector_load %arg5[%parallel_loop3A_190] {strides = array<i32>} : memref<20032xi32, #tpu.memory_space<vmem>>, vector<16xi32>,
      %parallel_loop3A_192 = arith.constant true
      %parallel_loop3A_193 = vector.broadcast %parallel_loop3A_192 : i1 to vector<16xi1>
      %parallel_loop3A_194 = tpu.scan <sum>, %parallel_loop3A_179 masked %parallel_loop3A_193 : vector<16xf32>, vector<16xi1> -> vector<16xf32>
      %parallel_loop3A_195 = arith.cmpi ne, %parallel_loop3A_183, %parallel_loop3A_191 : vector<16xi32>
      %parallel_loop3A_196 = arith.ori %parallel_loop3A_195, %eq3A_89 : vector<16xi1>
      %parallel_loop3A_197 = arith.cmpi ne, %parallel_loop3A_183, %parallel_loop3A_187 : vector<16xi32>
      %parallel_loop3A_198 = arith.ori %parallel_loop3A_197, %eq3A_86 : vector<16xi1>
      tpu.vector_store_idx %arg7[%parallel_loop3A_183], %parallel_loop3A_194 masked %parallel_loop3A_196 {add = true} : memref<10240xf32, #tpu.memory_space<vmem>>[vector<16xi32>], vector<16xf32>, vector<16xi1>
      %parallel_loop3A_199 = arith.subf %parallel_loop3A_179, %parallel_loop3A_194 : vector<16xf32>
      tpu.vector_store_idx %arg7[%parallel_loop3A_183], %parallel_loop3A_199 masked %parallel_loop3A_198 {add = true} : memref<10240xf32, #tpu.memory_space<vmem>>[vector<16xi32>], vector<16xf32>, vector<16xi1>
    } {sc.loop_unroll_factor = 8 : i64, sc.parallel_access}
    %dma_wait3A_104 = arith.constant 4000 : i32
    %dma_wait3A_105 = tpu.memref_slice %arg6[%dma_wait3A_104] : memref<20000xf32, #tpu.memory_space<vmem>> -> memref<4000xf32, #tpu.memory_space<vmem>>
    %dma_wait3A_106 = tpu.memref_slice %arg2[%add3A_19] : memref<320000xf32, #tpu.memory_space<hbm>> -> memref<4000xf32, #tpu.memory_space<hbm>>
    %dma_wait3A_107 = arith.constant 4000 : i32
    %dma_wait3A_108 = tpu.memref_slice %arg6[%dma_wait3A_107] : memref<20000xf32, #tpu.memory_space<vmem>> -> memref<4000xf32, #tpu.memory_space<vmem>>
    %dma_wait3A_109 = tpu.memref_slice %arg2[%add3A_19] : memref<320000xf32, #tpu.memory_space<hbm>> -> memref<4000xf32, #tpu.memory_space<hbm>>
    tpu.wait_dma2 semaphore(%arg14 : memref<!tpu.dma_semaphore, #tpu.memory_space<semaphore_mem>>) src(%dma_wait3A_109 : memref<4000xf32, #tpu.memory_space<hbm>>) dst(%dma_wait3A_108 : memref<4000xf32, #tpu.memory_space<vmem>>)
    %dma_wait3A_110 = arith.constant 4016 : i32
    %dma_wait3A_111 = tpu.memref_slice %arg5[%dma_wait3A_110] : memref<20032xi32, #tpu.memory_space<vmem>> -> memref<4000xi32, #tpu.memory_space<vmem>>
    %dma_wait3A_112 = tpu.memref_slice %arg3[%add3A_27] : memref<320000xi32, #tpu.memory_space<hbm>> -> memref<4000xi32, #tpu.memory_space<hbm>>
    %dma_wait3A_113 = arith.constant 4016 : i32
    %dma_wait3A_114 = tpu.memref_slice %arg5[%dma_wait3A_113] : memref<20032xi32, #tpu.memory_space<vmem>> -> memref<4000xi32, #tpu.memory_space<vmem>>
    %dma_wait3A_115 = tpu.memref_slice %arg3[%add3A_27] : memref<320000xi32, #tpu.memory_space<hbm>> -> memref<4000xi32, #tpu.memory_space<hbm>>
    tpu.wait_dma2 semaphore(%arg19 : memref<!tpu.dma_semaphore, #tpu.memory_space<semaphore_mem>>) src(%dma_wait3A_115 : memref<4000xi32, #tpu.memory_space<hbm>>) dst(%dma_wait3A_114 : memref<4000xi32, #tpu.memory_space<vmem>>)
    %parallel_loop3A_116 = arith.constant 250 : i32
    %parallel_loop3A_117 = arith.constant 500 : i32
    %parallel_loop3A_118 = arith.constant 1 : i32
    scf.for %parallel_loop3A_175 = %parallel_loop3A_116 to %parallel_loop3A_117 step %parallel_loop3A_118  : i32 {
      %parallel_loop3A_176 = arith.constant 16 : i32
      %parallel_loop3A_177 = arith.muli %parallel_loop3A_175, %parallel_loop3A_176 : i32
      %parallel_loop3A_178 = arith.index_cast %parallel_loop3A_177 : i32 to index
      %parallel_loop3A_179 = tpu.vector_load %arg6[%parallel_loop3A_178] {strides = array<i32>} : memref<20000xf32, #tpu.memory_space<vmem>>, vector<16xf32>,
      %parallel_loop3A_180 = arith.constant 16 : i32
      %parallel_loop3A_181 = arith.addi %parallel_loop3A_180, %parallel_loop3A_177 : i32
      %parallel_loop3A_182 = arith.index_cast %parallel_loop3A_181 : i32 to index
      %parallel_loop3A_183 = tpu.vector_load %arg5[%parallel_loop3A_182] {strides = array<i32>} : memref<20032xi32, #tpu.memory_space<vmem>>, vector<16xi32>,
      %parallel_loop3A_184 = arith.constant 15 : i32
      %parallel_loop3A_185 = arith.addi %parallel_loop3A_184, %parallel_loop3A_177 : i32
      %parallel_loop3A_186 = arith.index_cast %parallel_loop3A_185 : i32 to index
      %parallel_loop3A_187 = tpu.vector_load %arg5[%parallel_loop3A_186] {strides = array<i32>} : memref<20032xi32, #tpu.memory_space<vmem>>, vector<16xi32>,
      %parallel_loop3A_188 = arith.constant 17 : i32
      %parallel_loop3A_189 = arith.addi %parallel_loop3A_188, %parallel_loop3A_177 : i32
      %parallel_loop3A_190 = arith.index_cast %parallel_loop3A_189 : i32 to index
      %parallel_loop3A_191 = tpu.vector_load %arg5[%parallel_loop3A_190] {strides = array<i32>} : memref<20032xi32, #tpu.memory_space<vmem>>, vector<16xi32>,
      %parallel_loop3A_192 = arith.constant true
      %parallel_loop3A_193 = vector.broadcast %parallel_loop3A_192 : i1 to vector<16xi1>
      %parallel_loop3A_194 = tpu.scan <sum>, %parallel_loop3A_179 masked %parallel_loop3A_193 : vector<16xf32>, vector<16xi1> -> vector<16xf32>
      %parallel_loop3A_195 = arith.cmpi ne, %parallel_loop3A_183, %parallel_loop3A_191 : vector<16xi32>
      %parallel_loop3A_196 = arith.ori %parallel_loop3A_195, %eq3A_89 : vector<16xi1>
      %parallel_loop3A_197 = arith.cmpi ne, %parallel_loop3A_183, %parallel_loop3A_187 : vector<16xi32>
      %parallel_loop3A_198 = arith.ori %parallel_loop3A_197, %eq3A_86 : vector<16xi1>
      tpu.vector_store_idx %arg7[%parallel_loop3A_183], %parallel_loop3A_194 masked %parallel_loop3A_196 {add = true} : memref<10240xf32, #tpu.memory_space<vmem>>[vector<16xi32>], vector<16xf32>, vector<16xi1>
      %parallel_loop3A_199 = arith.subf %parallel_loop3A_179, %parallel_loop3A_194 : vector<16xf32>
      tpu.vector_store_idx %arg7[%parallel_loop3A_183], %parallel_loop3A_199 masked %parallel_loop3A_198 {add = true} : memref<10240xf32, #tpu.memory_space<vmem>>[vector<16xi32>], vector<16xf32>, vector<16xi1>
    } {sc.loop_unroll_factor = 8 : i64, sc.parallel_access}
    %dma_wait3A_119 = arith.constant 8000 : i32
    %dma_wait3A_120 = tpu.memref_slice %arg6[%dma_wait3A_119] : memref<20000xf32, #tpu.memory_space<vmem>> -> memref<4000xf32, #tpu.memory_space<vmem>>
    %dma_wait3A_121 = tpu.memref_slice %arg2[%add3A_35] : memref<320000xf32, #tpu.memory_space<hbm>> -> memref<4000xf32, #tpu.memory_space<hbm>>
    %dma_wait3A_122 = arith.constant 8000 : i32
    %dma_wait3A_123 = tpu.memref_slice %arg6[%dma_wait3A_122] : memref<20000xf32, #tpu.memory_space<vmem>> -> memref<4000xf32, #tpu.memory_space<vmem>>
    %dma_wait3A_124 = tpu.memref_slice %arg2[%add3A_35] : memref<320000xf32, #tpu.memory_space<hbm>> -> memref<4000xf32, #tpu.memory_space<hbm>>
    tpu.wait_dma2 semaphore(%arg15 : memref<!tpu.dma_semaphore, #tpu.memory_space<semaphore_mem>>) src(%dma_wait3A_124 : memref<4000xf32, #tpu.memory_space<hbm>>) dst(%dma_wait3A_123 : memref<4000xf32, #tpu.memory_space<vmem>>)
    %dma_wait3A_125 = arith.constant 8016 : i32
    %dma_wait3A_126 = tpu.memref_slice %arg5[%dma_wait3A_125] : memref<20032xi32, #tpu.memory_space<vmem>> -> memref<4000xi32, #tpu.memory_space<vmem>>
    %dma_wait3A_127 = tpu.memref_slice %arg3[%add3A_43] : memref<320000xi32, #tpu.memory_space<hbm>> -> memref<4000xi32, #tpu.memory_space<hbm>>
    %dma_wait3A_128 = arith.constant 8016 : i32
    %dma_wait3A_129 = tpu.memref_slice %arg5[%dma_wait3A_128] : memref<20032xi32, #tpu.memory_space<vmem>> -> memref<4000xi32, #tpu.memory_space<vmem>>
    %dma_wait3A_130 = tpu.memref_slice %arg3[%add3A_43] : memref<320000xi32, #tpu.memory_space<hbm>> -> memref<4000xi32, #tpu.memory_space<hbm>>
    tpu.wait_dma2 semaphore(%arg20 : memref<!tpu.dma_semaphore, #tpu.memory_space<semaphore_mem>>) src(%dma_wait3A_130 : memref<4000xi32, #tpu.memory_space<hbm>>) dst(%dma_wait3A_129 : memref<4000xi32, #tpu.memory_space<vmem>>)
    %parallel_loop3A_131 = arith.constant 500 : i32
    %parallel_loop3A_132 = arith.constant 750 : i32
    %parallel_loop3A_133 = arith.constant 1 : i32
    scf.for %parallel_loop3A_175 = %parallel_loop3A_131 to %parallel_loop3A_132 step %parallel_loop3A_133  : i32 {
      %parallel_loop3A_176 = arith.constant 16 : i32
      %parallel_loop3A_177 = arith.muli %parallel_loop3A_175, %parallel_loop3A_176 : i32
      %parallel_loop3A_178 = arith.index_cast %parallel_loop3A_177 : i32 to index
      %parallel_loop3A_179 = tpu.vector_load %arg6[%parallel_loop3A_178] {strides = array<i32>} : memref<20000xf32, #tpu.memory_space<vmem>>, vector<16xf32>,
      %parallel_loop3A_180 = arith.constant 16 : i32
      %parallel_loop3A_181 = arith.addi %parallel_loop3A_180, %parallel_loop3A_177 : i32
      %parallel_loop3A_182 = arith.index_cast %parallel_loop3A_181 : i32 to index
      %parallel_loop3A_183 = tpu.vector_load %arg5[%parallel_loop3A_182] {strides = array<i32>} : memref<20032xi32, #tpu.memory_space<vmem>>, vector<16xi32>,
      %parallel_loop3A_184 = arith.constant 15 : i32
      %parallel_loop3A_185 = arith.addi %parallel_loop3A_184, %parallel_loop3A_177 : i32
      %parallel_loop3A_186 = arith.index_cast %parallel_loop3A_185 : i32 to index
      %parallel_loop3A_187 = tpu.vector_load %arg5[%parallel_loop3A_186] {strides = array<i32>} : memref<20032xi32, #tpu.memory_space<vmem>>, vector<16xi32>,
      %parallel_loop3A_188 = arith.constant 17 : i32
      %parallel_loop3A_189 = arith.addi %parallel_loop3A_188, %parallel_loop3A_177 : i32
      %parallel_loop3A_190 = arith.index_cast %parallel_loop3A_189 : i32 to index
      %parallel_loop3A_191 = tpu.vector_load %arg5[%parallel_loop3A_190] {strides = array<i32>} : memref<20032xi32, #tpu.memory_space<vmem>>, vector<16xi32>,
      %parallel_loop3A_192 = arith.constant true
      %parallel_loop3A_193 = vector.broadcast %parallel_loop3A_192 : i1 to vector<16xi1>
      %parallel_loop3A_194 = tpu.scan <sum>, %parallel_loop3A_179 masked %parallel_loop3A_193 : vector<16xf32>, vector<16xi1> -> vector<16xf32>
      %parallel_loop3A_195 = arith.cmpi ne, %parallel_loop3A_183, %parallel_loop3A_191 : vector<16xi32>
      %parallel_loop3A_196 = arith.ori %parallel_loop3A_195, %eq3A_89 : vector<16xi1>
      %parallel_loop3A_197 = arith.cmpi ne, %parallel_loop3A_183, %parallel_loop3A_187 : vector<16xi32>
      %parallel_loop3A_198 = arith.ori %parallel_loop3A_197, %eq3A_86 : vector<16xi1>
      tpu.vector_store_idx %arg7[%parallel_loop3A_183], %parallel_loop3A_194 masked %parallel_loop3A_196 {add = true} : memref<10240xf32, #tpu.memory_space<vmem>>[vector<16xi32>], vector<16xf32>, vector<16xi1>
      %parallel_loop3A_199 = arith.subf %parallel_loop3A_179, %parallel_loop3A_194 : vector<16xf32>
      tpu.vector_store_idx %arg7[%parallel_loop3A_183], %parallel_loop3A_199 masked %parallel_loop3A_198 {add = true} : memref<10240xf32, #tpu.memory_space<vmem>>[vector<16xi32>], vector<16xf32>, vector<16xi1>
    } {sc.loop_unroll_factor = 8 : i64, sc.parallel_access}
    %dma_wait3A_134 = arith.constant 12000 : i32
    %dma_wait3A_135 = tpu.memref_slice %arg6[%dma_wait3A_134] : memref<20000xf32, #tpu.memory_space<vmem>> -> memref<4000xf32, #tpu.memory_space<vmem>>
    %dma_wait3A_136 = tpu.memref_slice %arg2[%add3A_51] : memref<320000xf32, #tpu.memory_space<hbm>> -> memref<4000xf32, #tpu.memory_space<hbm>>
    %dma_wait3A_137 = arith.constant 12000 : i32
    %dma_wait3A_138 = tpu.memref_slice %arg6[%dma_wait3A_137] : memref<20000xf32, #tpu.memory_space<vmem>> -> memref<4000xf32, #tpu.memory_space<vmem>>
    %dma_wait3A_139 = tpu.memref_slice %arg2[%add3A_51] : memref<320000xf32, #tpu.memory_space<hbm>> -> memref<4000xf32, #tpu.memory_space<hbm>>
    tpu.wait_dma2 semaphore(%arg16 : memref<!tpu.dma_semaphore, #tpu.memory_space<semaphore_mem>>) src(%dma_wait3A_139 : memref<4000xf32, #tpu.memory_space<hbm>>) dst(%dma_wait3A_138 : memref<4000xf32, #tpu.memory_space<vmem>>)
    %dma_wait3A_140 = arith.constant 12016 : i32
    %dma_wait3A_141 = tpu.memref_slice %arg5[%dma_wait3A_140] : memref<20032xi32, #tpu.memory_space<vmem>> -> memref<4000xi32, #tpu.memory_space<vmem>>
    %dma_wait3A_142 = tpu.memref_slice %arg3[%add3A_59] : memref<320000xi32, #tpu.memory_space<hbm>> -> memref<4000xi32, #tpu.memory_space<hbm>>
    %dma_wait3A_143 = arith.constant 12016 : i32
    %dma_wait3A_144 = tpu.memref_slice %arg5[%dma_wait3A_143] : memref<20032xi32, #tpu.memory_space<vmem>> -> memref<4000xi32, #tpu.memory_space<vmem>>
    %dma_wait3A_145 = tpu.memref_slice %arg3[%add3A_59] : memref<320000xi32, #tpu.memory_space<hbm>> -> memref<4000xi32, #tpu.memory_space<hbm>>
    tpu.wait_dma2 semaphore(%arg21 : memref<!tpu.dma_semaphore, #tpu.memory_space<semaphore_mem>>) src(%dma_wait3A_145 : memref<4000xi32, #tpu.memory_space<hbm>>) dst(%dma_wait3A_144 : memref<4000xi32, #tpu.memory_space<vmem>>)
    %parallel_loop3A_146 = arith.constant 750 : i32
    %parallel_loop3A_147 = arith.constant 1000 : i32
    %parallel_loop3A_148 = arith.constant 1 : i32
    scf.for %parallel_loop3A_175 = %parallel_loop3A_146 to %parallel_loop3A_147 step %parallel_loop3A_148  : i32 {
      %parallel_loop3A_176 = arith.constant 16 : i32
      %parallel_loop3A_177 = arith.muli %parallel_loop3A_175, %parallel_loop3A_176 : i32
      %parallel_loop3A_178 = arith.index_cast %parallel_loop3A_177 : i32 to index
      %parallel_loop3A_179 = tpu.vector_load %arg6[%parallel_loop3A_178] {strides = array<i32>} : memref<20000xf32, #tpu.memory_space<vmem>>, vector<16xf32>,
      %parallel_loop3A_180 = arith.constant 16 : i32
      %parallel_loop3A_181 = arith.addi %parallel_loop3A_180, %parallel_loop3A_177 : i32
      %parallel_loop3A_182 = arith.index_cast %parallel_loop3A_181 : i32 to index
      %parallel_loop3A_183 = tpu.vector_load %arg5[%parallel_loop3A_182] {strides = array<i32>} : memref<20032xi32, #tpu.memory_space<vmem>>, vector<16xi32>,
      %parallel_loop3A_184 = arith.constant 15 : i32
      %parallel_loop3A_185 = arith.addi %parallel_loop3A_184, %parallel_loop3A_177 : i32
      %parallel_loop3A_186 = arith.index_cast %parallel_loop3A_185 : i32 to index
      %parallel_loop3A_187 = tpu.vector_load %arg5[%parallel_loop3A_186] {strides = array<i32>} : memref<20032xi32, #tpu.memory_space<vmem>>, vector<16xi32>,
      %parallel_loop3A_188 = arith.constant 17 : i32
      %parallel_loop3A_189 = arith.addi %parallel_loop3A_188, %parallel_loop3A_177 : i32
      %parallel_loop3A_190 = arith.index_cast %parallel_loop3A_189 : i32 to index
      %parallel_loop3A_191 = tpu.vector_load %arg5[%parallel_loop3A_190] {strides = array<i32>} : memref<20032xi32, #tpu.memory_space<vmem>>, vector<16xi32>,
      %parallel_loop3A_192 = arith.constant true
      %parallel_loop3A_193 = vector.broadcast %parallel_loop3A_192 : i1 to vector<16xi1>
      %parallel_loop3A_194 = tpu.scan <sum>, %parallel_loop3A_179 masked %parallel_loop3A_193 : vector<16xf32>, vector<16xi1> -> vector<16xf32>
      %parallel_loop3A_195 = arith.cmpi ne, %parallel_loop3A_183, %parallel_loop3A_191 : vector<16xi32>
      %parallel_loop3A_196 = arith.ori %parallel_loop3A_195, %eq3A_89 : vector<16xi1>
      %parallel_loop3A_197 = arith.cmpi ne, %parallel_loop3A_183, %parallel_loop3A_187 : vector<16xi32>
      %parallel_loop3A_198 = arith.ori %parallel_loop3A_197, %eq3A_86 : vector<16xi1>
      tpu.vector_store_idx %arg7[%parallel_loop3A_183], %parallel_loop3A_194 masked %parallel_loop3A_196 {add = true} : memref<10240xf32, #tpu.memory_space<vmem>>[vector<16xi32>], vector<16xf32>, vector<16xi1>
      %parallel_loop3A_199 = arith.subf %parallel_loop3A_179, %parallel_loop3A_194 : vector<16xf32>
      tpu.vector_store_idx %arg7[%parallel_loop3A_183], %parallel_loop3A_199 masked %parallel_loop3A_198 {add = true} : memref<10240xf32, #tpu.memory_space<vmem>>[vector<16xi32>], vector<16xf32>, vector<16xi1>
    } {sc.loop_unroll_factor = 8 : i64, sc.parallel_access}
    %dma_wait3A_149 = arith.constant 16000 : i32
    %dma_wait3A_150 = tpu.memref_slice %arg6[%dma_wait3A_149] : memref<20000xf32, #tpu.memory_space<vmem>> -> memref<4000xf32, #tpu.memory_space<vmem>>
    %dma_wait3A_151 = tpu.memref_slice %arg2[%add3A_67] : memref<320000xf32, #tpu.memory_space<hbm>> -> memref<4000xf32, #tpu.memory_space<hbm>>
    %dma_wait3A_152 = arith.constant 16000 : i32
    %dma_wait3A_153 = tpu.memref_slice %arg6[%dma_wait3A_152] : memref<20000xf32, #tpu.memory_space<vmem>> -> memref<4000xf32, #tpu.memory_space<vmem>>
    %dma_wait3A_154 = tpu.memref_slice %arg2[%add3A_67] : memref<320000xf32, #tpu.memory_space<hbm>> -> memref<4000xf32, #tpu.memory_space<hbm>>
    tpu.wait_dma2 semaphore(%arg17 : memref<!tpu.dma_semaphore, #tpu.memory_space<semaphore_mem>>) src(%dma_wait3A_154 : memref<4000xf32, #tpu.memory_space<hbm>>) dst(%dma_wait3A_153 : memref<4000xf32, #tpu.memory_space<vmem>>)
    %dma_wait3A_155 = arith.constant 16016 : i32
    %dma_wait3A_156 = tpu.memref_slice %arg5[%dma_wait3A_155] : memref<20032xi32, #tpu.memory_space<vmem>> -> memref<4000xi32, #tpu.memory_space<vmem>>
    %dma_wait3A_157 = tpu.memref_slice %arg3[%add3A_75] : memref<320000xi32, #tpu.memory_space<hbm>> -> memref<4000xi32, #tpu.memory_space<hbm>>
    %dma_wait3A_158 = arith.constant 16016 : i32
    %dma_wait3A_159 = tpu.memref_slice %arg5[%dma_wait3A_158] : memref<20032xi32, #tpu.memory_space<vmem>> -> memref<4000xi32, #tpu.memory_space<vmem>>
    %dma_wait3A_160 = tpu.memref_slice %arg3[%add3A_75] : memref<320000xi32, #tpu.memory_space<hbm>> -> memref<4000xi32, #tpu.memory_space<hbm>>
    tpu.wait_dma2 semaphore(%arg22 : memref<!tpu.dma_semaphore, #tpu.memory_space<semaphore_mem>>) src(%dma_wait3A_160 : memref<4000xi32, #tpu.memory_space<hbm>>) dst(%dma_wait3A_159 : memref<4000xi32, #tpu.memory_space<vmem>>)
    %parallel_loop3A_161 = arith.constant 1000 : i32
    %parallel_loop3A_162 = arith.constant 1250 : i32
    %parallel_loop3A_163 = arith.constant 1 : i32
    scf.for %parallel_loop3A_175 = %parallel_loop3A_161 to %parallel_loop3A_162 step %parallel_loop3A_163  : i32 {
      %parallel_loop3A_176 = arith.constant 16 : i32
      %parallel_loop3A_177 = arith.muli %parallel_loop3A_175, %parallel_loop3A_176 : i32
      %parallel_loop3A_178 = arith.index_cast %parallel_loop3A_177 : i32 to index
      %parallel_loop3A_179 = tpu.vector_load %arg6[%parallel_loop3A_178] {strides = array<i32>} : memref<20000xf32, #tpu.memory_space<vmem>>, vector<16xf32>,
      %parallel_loop3A_180 = arith.constant 16 : i32
      %parallel_loop3A_181 = arith.addi %parallel_loop3A_180, %parallel_loop3A_177 : i32
      %parallel_loop3A_182 = arith.index_cast %parallel_loop3A_181 : i32 to index
      %parallel_loop3A_183 = tpu.vector_load %arg5[%parallel_loop3A_182] {strides = array<i32>} : memref<20032xi32, #tpu.memory_space<vmem>>, vector<16xi32>,
      %parallel_loop3A_184 = arith.constant 15 : i32
      %parallel_loop3A_185 = arith.addi %parallel_loop3A_184, %parallel_loop3A_177 : i32
      %parallel_loop3A_186 = arith.index_cast %parallel_loop3A_185 : i32 to index
      %parallel_loop3A_187 = tpu.vector_load %arg5[%parallel_loop3A_186] {strides = array<i32>} : memref<20032xi32, #tpu.memory_space<vmem>>, vector<16xi32>,
      %parallel_loop3A_188 = arith.constant 17 : i32
      %parallel_loop3A_189 = arith.addi %parallel_loop3A_188, %parallel_loop3A_177 : i32
      %parallel_loop3A_190 = arith.index_cast %parallel_loop3A_189 : i32 to index
      %parallel_loop3A_191 = tpu.vector_load %arg5[%parallel_loop3A_190] {strides = array<i32>} : memref<20032xi32, #tpu.memory_space<vmem>>, vector<16xi32>,
      %parallel_loop3A_192 = arith.constant true
      %parallel_loop3A_193 = vector.broadcast %parallel_loop3A_192 : i1 to vector<16xi1>
      %parallel_loop3A_194 = tpu.scan <sum>, %parallel_loop3A_179 masked %parallel_loop3A_193 : vector<16xf32>, vector<16xi1> -> vector<16xf32>
      %parallel_loop3A_195 = arith.cmpi ne, %parallel_loop3A_183, %parallel_loop3A_191 : vector<16xi32>
      %parallel_loop3A_196 = arith.ori %parallel_loop3A_195, %eq3A_89 : vector<16xi1>
      %parallel_loop3A_197 = arith.cmpi ne, %parallel_loop3A_183, %parallel_loop3A_187 : vector<16xi32>
      %parallel_loop3A_198 = arith.ori %parallel_loop3A_197, %eq3A_86 : vector<16xi1>
      tpu.vector_store_idx %arg7[%parallel_loop3A_183], %parallel_loop3A_194 masked %parallel_loop3A_196 {add = true} : memref<10240xf32, #tpu.memory_space<vmem>>[vector<16xi32>], vector<16xf32>, vector<16xi1>
      %parallel_loop3A_199 = arith.subf %parallel_loop3A_179, %parallel_loop3A_194 : vector<16xf32>
      tpu.vector_store_idx %arg7[%parallel_loop3A_183], %parallel_loop3A_199 masked %parallel_loop3A_198 {add = true} : memref<10240xf32, #tpu.memory_space<vmem>>[vector<16xi32>], vector<16xf32>, vector<16xi1>
    } {sc.loop_unroll_factor = 8 : i64, sc.parallel_access}
    "tpu.region"() ({
      %run_scoped3A = tpu.sem_alloc : memref<!tpu.dma_semaphore, #tpu.memory_space<semaphore_mem>>
      %dma_start3A_175 = arith.constant 0 : i32
      %dma_start3A_176 = tpu.memref_slice %arg11[%arg1, %dma_start3A_175] : memref<16x10240xf32, #tpu.memory_space<vmem_shared>> -> memref<1x10240xf32, #tpu.memory_space<vmem_shared>>
      %dma_start3A_177 = tpu.memref_squeeze %dma_start3A_176 : memref<1x10240xf32, #tpu.memory_space<vmem_shared>> -> memref<10240xf32, #tpu.memory_space<vmem_shared>>
      %dma_start3A_178 = arith.constant 0 : i32
      %dma_start3A_179 = tpu.memref_slice %arg11[%arg1, %dma_start3A_178] : memref<16x10240xf32, #tpu.memory_space<vmem_shared>> -> memref<1x10240xf32, #tpu.memory_space<vmem_shared>>
      %dma_start3A_180 = tpu.memref_squeeze %dma_start3A_179 : memref<1x10240xf32, #tpu.memory_space<vmem_shared>> -> memref<10240xf32, #tpu.memory_space<vmem_shared>>
      tpu.enqueue_dma source(%arg7 : memref<10240xf32, #tpu.memory_space<vmem>>) target(%dma_start3A_180 : memref<10240xf32, #tpu.memory_space<vmem_shared>>) target_semaphore(%run_scoped3A : memref<!tpu.dma_semaphore, #tpu.memory_space<semaphore_mem>>)
      %dma_wait3A_181 = arith.constant 0 : i32
      %dma_wait3A_182 = tpu.memref_slice %arg11[%arg1, %dma_wait3A_181] : memref<16x10240xf32, #tpu.memory_space<vmem_shared>> -> memref<1x10240xf32, #tpu.memory_space<vmem_shared>>
      %dma_wait3A_183 = tpu.memref_squeeze %dma_wait3A_182 : memref<1x10240xf32, #tpu.memory_space<vmem_shared>> -> memref<10240xf32, #tpu.memory_space<vmem_shared>>
      %dma_wait3A_184 = arith.constant 0 : i32
      %dma_wait3A_185 = tpu.memref_slice %arg11[%arg1, %dma_wait3A_184] : memref<16x10240xf32, #tpu.memory_space<vmem_shared>> -> memref<1x10240xf32, #tpu.memory_space<vmem_shared>>
      %dma_wait3A_186 = tpu.memref_squeeze %dma_wait3A_185 : memref<1x10240xf32, #tpu.memory_space<vmem_shared>> -> memref<10240xf32, #tpu.memory_space<vmem_shared>>
      tpu.wait_dma2 semaphore(%run_scoped3A : memref<!tpu.dma_semaphore, #tpu.memory_space<semaphore_mem>>) src(%arg7 : memref<10240xf32, #tpu.memory_space<vmem>>) dst(%dma_wait3A_186 : memref<10240xf32, #tpu.memory_space<vmem_shared>>)
      tpu.yield
    }) : () -> ()
    %barrier3A = arith.constant 0 : index
    tpu.barrier barrier_id(%barrier3A)
    %mul3A_164 = arith.constant 640 : i32
    %mul3A_165 = arith.muli %arg1, %mul3A_164 : i32
    "tpu.region"() ({
      %run_scoped3A = tpu.sem_alloc : memref<!tpu.dma_semaphore, #tpu.memory_space<semaphore_mem>>
      %dma_start3A_175 = arith.constant 0 : i32
      %dma_start3A_176 = tpu.memref_slice %arg11[%dma_start3A_175, %mul3A_165] : memref<16x10240xf32, #tpu.memory_space<vmem_shared>> -> memref<16x640xf32, #tpu.memory_space<vmem_shared>>
      %dma_start3A_177 = arith.constant 0 : i32
      %dma_start3A_178 = tpu.memref_slice %arg11[%dma_start3A_177, %mul3A_165] : memref<16x10240xf32, #tpu.memory_space<vmem_shared>> -> memref<16x640xf32, #tpu.memory_space<vmem_shared>>
      tpu.enqueue_dma source(%dma_start3A_178 : memref<16x640xf32, #tpu.memory_space<vmem_shared>>) target(%arg8 : memref<16x640xf32, #tpu.memory_space<vmem>>) target_semaphore(%run_scoped3A : memref<!tpu.dma_semaphore, #tpu.memory_space<semaphore_mem>>)
      %dma_wait3A_179 = arith.constant 0 : i32
      %dma_wait3A_180 = tpu.memref_slice %arg11[%dma_wait3A_179, %mul3A_165] : memref<16x10240xf32, #tpu.memory_space<vmem_shared>> -> memref<16x640xf32, #tpu.memory_space<vmem_shared>>
      %dma_wait3A_181 = arith.constant 0 : i32
      %dma_wait3A_182 = tpu.memref_slice %arg11[%dma_wait3A_181, %mul3A_165] : memref<16x10240xf32, #tpu.memory_space<vmem_shared>> -> memref<16x640xf32, #tpu.memory_space<vmem_shared>>
      tpu.wait_dma2 semaphore(%run_scoped3A : memref<!tpu.dma_semaphore, #tpu.memory_space<semaphore_mem>>) src(%dma_wait3A_182 : memref<16x640xf32, #tpu.memory_space<vmem_shared>>) dst(%arg8 : memref<16x640xf32, #tpu.memory_space<vmem>>)
      tpu.yield
    }) : () -> ()
    %broadcast_in_dim3A_166 = arith.constant 1.000000e+00 : f32
    %broadcast_in_dim3A_167 = vector.broadcast %broadcast_in_dim3A_166 : f32 to vector<16xf32>
    %parallel_loop3A_168 = arith.constant 0 : i32
    %parallel_loop3A_169 = arith.constant 40 : i32
    %parallel_loop3A_170 = arith.constant 1 : i32
    scf.for %parallel_loop3A_175 = %parallel_loop3A_168 to %parallel_loop3A_169 step %parallel_loop3A_170  : i32 {
      %parallel_loop3A_176 = arith.constant 16 : i32
      %parallel_loop3A_177 = arith.muli %parallel_loop3A_175, %parallel_loop3A_176 : i32
      %parallel_loop3A_178 = arith.constant 0 : i32
      %parallel_loop3A_179 = arith.index_cast %parallel_loop3A_178 : i32 to index
      %parallel_loop3A_180 = arith.index_cast %parallel_loop3A_177 : i32 to index
      %parallel_loop3A_181 = tpu.vector_load %arg8[%parallel_loop3A_179, %parallel_loop3A_180] {strides = array<i32>} : memref<16x640xf32, #tpu.memory_space<vmem>>, vector<16xf32>,
      %parallel_loop3A_182 = arith.constant 1 : i32
      %parallel_loop3A_183 = arith.index_cast %parallel_loop3A_182 : i32 to index
      %parallel_loop3A_184 = arith.index_cast %parallel_loop3A_177 : i32 to index
      %parallel_loop3A_185 = tpu.vector_load %arg8[%parallel_loop3A_183, %parallel_loop3A_184] {strides = array<i32>} : memref<16x640xf32, #tpu.memory_space<vmem>>, vector<16xf32>,
      %parallel_loop3A_186 = arith.addf %parallel_loop3A_181, %parallel_loop3A_185 : vector<16xf32>
      %parallel_loop3A_187 = arith.constant 2 : i32
      %parallel_loop3A_188 = arith.index_cast %parallel_loop3A_187 : i32 to index
      %parallel_loop3A_189 = arith.index_cast %parallel_loop3A_177 : i32 to index
      %parallel_loop3A_190 = tpu.vector_load %arg8[%parallel_loop3A_188, %parallel_loop3A_189] {strides = array<i32>} : memref<16x640xf32, #tpu.memory_space<vmem>>, vector<16xf32>,
      %parallel_loop3A_191 = arith.addf %parallel_loop3A_186, %parallel_loop3A_190 : vector<16xf32>
      %parallel_loop3A_192 = arith.constant 3 : i32
      %parallel_loop3A_193 = arith.index_cast %parallel_loop3A_192 : i32 to index
      %parallel_loop3A_194 = arith.index_cast %parallel_loop3A_177 : i32 to index
      %parallel_loop3A_195 = tpu.vector_load %arg8[%parallel_loop3A_193, %parallel_loop3A_194] {strides = array<i32>} : memref<16x640xf32, #tpu.memory_space<vmem>>, vector<16xf32>,
      %parallel_loop3A_196 = arith.addf %parallel_loop3A_191, %parallel_loop3A_195 : vector<16xf32>
      %parallel_loop3A_197 = arith.constant 4 : i32
      %parallel_loop3A_198 = arith.index_cast %parallel_loop3A_197 : i32 to index
      %parallel_loop3A_199 = arith.index_cast %parallel_loop3A_177 : i32 to index
      %parallel_loop3A_200 = tpu.vector_load %arg8[%parallel_loop3A_198, %parallel_loop3A_199] {strides = array<i32>} : memref<16x640xf32, #tpu.memory_space<vmem>>, vector<16xf32>,
      %parallel_loop3A_201 = arith.addf %parallel_loop3A_196, %parallel_loop3A_200 : vector<16xf32>
      %parallel_loop3A_202 = arith.constant 5 : i32
      %parallel_loop3A_203 = arith.index_cast %parallel_loop3A_202 : i32 to index
      %parallel_loop3A_204 = arith.index_cast %parallel_loop3A_177 : i32 to index
      %parallel_loop3A_205 = tpu.vector_load %arg8[%parallel_loop3A_203, %parallel_loop3A_204] {strides = array<i32>} : memref<16x640xf32, #tpu.memory_space<vmem>>, vector<16xf32>,
      %parallel_loop3A_206 = arith.addf %parallel_loop3A_201, %parallel_loop3A_205 : vector<16xf32>
      %parallel_loop3A_207 = arith.constant 6 : i32
      %parallel_loop3A_208 = arith.index_cast %parallel_loop3A_207 : i32 to index
      %parallel_loop3A_209 = arith.index_cast %parallel_loop3A_177 : i32 to index
      %parallel_loop3A_210 = tpu.vector_load %arg8[%parallel_loop3A_208, %parallel_loop3A_209] {strides = array<i32>} : memref<16x640xf32, #tpu.memory_space<vmem>>, vector<16xf32>,
      %parallel_loop3A_211 = arith.addf %parallel_loop3A_206, %parallel_loop3A_210 : vector<16xf32>
      %parallel_loop3A_212 = arith.constant 7 : i32
      %parallel_loop3A_213 = arith.index_cast %parallel_loop3A_212 : i32 to index
      %parallel_loop3A_214 = arith.index_cast %parallel_loop3A_177 : i32 to index
      %parallel_loop3A_215 = tpu.vector_load %arg8[%parallel_loop3A_213, %parallel_loop3A_214] {strides = array<i32>} : memref<16x640xf32, #tpu.memory_space<vmem>>, vector<16xf32>,
      %parallel_loop3A_216 = arith.addf %parallel_loop3A_211, %parallel_loop3A_215 : vector<16xf32>
      %parallel_loop3A_217 = arith.constant 8 : i32
      %parallel_loop3A_218 = arith.index_cast %parallel_loop3A_217 : i32 to index
      %parallel_loop3A_219 = arith.index_cast %parallel_loop3A_177 : i32 to index
      %parallel_loop3A_220 = tpu.vector_load %arg8[%parallel_loop3A_218, %parallel_loop3A_219] {strides = array<i32>} : memref<16x640xf32, #tpu.memory_space<vmem>>, vector<16xf32>,
      %parallel_loop3A_221 = arith.addf %parallel_loop3A_216, %parallel_loop3A_220 : vector<16xf32>
      %parallel_loop3A_222 = arith.constant 9 : i32
      %parallel_loop3A_223 = arith.index_cast %parallel_loop3A_222 : i32 to index
      %parallel_loop3A_224 = arith.index_cast %parallel_loop3A_177 : i32 to index
      %parallel_loop3A_225 = tpu.vector_load %arg8[%parallel_loop3A_223, %parallel_loop3A_224] {strides = array<i32>} : memref<16x640xf32, #tpu.memory_space<vmem>>, vector<16xf32>,
      %parallel_loop3A_226 = arith.addf %parallel_loop3A_221, %parallel_loop3A_225 : vector<16xf32>
      %parallel_loop3A_227 = arith.constant 10 : i32
      %parallel_loop3A_228 = arith.index_cast %parallel_loop3A_227 : i32 to index
      %parallel_loop3A_229 = arith.index_cast %parallel_loop3A_177 : i32 to index
      %parallel_loop3A_230 = tpu.vector_load %arg8[%parallel_loop3A_228, %parallel_loop3A_229] {strides = array<i32>} : memref<16x640xf32, #tpu.memory_space<vmem>>, vector<16xf32>,
      %parallel_loop3A_231 = arith.addf %parallel_loop3A_226, %parallel_loop3A_230 : vector<16xf32>
      %parallel_loop3A_232 = arith.constant 11 : i32
      %parallel_loop3A_233 = arith.index_cast %parallel_loop3A_232 : i32 to index
      %parallel_loop3A_234 = arith.index_cast %parallel_loop3A_177 : i32 to index
      %parallel_loop3A_235 = tpu.vector_load %arg8[%parallel_loop3A_233, %parallel_loop3A_234] {strides = array<i32>} : memref<16x640xf32, #tpu.memory_space<vmem>>, vector<16xf32>,
      %parallel_loop3A_236 = arith.addf %parallel_loop3A_231, %parallel_loop3A_235 : vector<16xf32>
      %parallel_loop3A_237 = arith.constant 12 : i32
      %parallel_loop3A_238 = arith.index_cast %parallel_loop3A_237 : i32 to index
      %parallel_loop3A_239 = arith.index_cast %parallel_loop3A_177 : i32 to index
      %parallel_loop3A_240 = tpu.vector_load %arg8[%parallel_loop3A_238, %parallel_loop3A_239] {strides = array<i32>} : memref<16x640xf32, #tpu.memory_space<vmem>>, vector<16xf32>,
      %parallel_loop3A_241 = arith.addf %parallel_loop3A_236, %parallel_loop3A_240 : vector<16xf32>
      %parallel_loop3A_242 = arith.constant 13 : i32
      %parallel_loop3A_243 = arith.index_cast %parallel_loop3A_242 : i32 to index
      %parallel_loop3A_244 = arith.index_cast %parallel_loop3A_177 : i32 to index
      %parallel_loop3A_245 = tpu.vector_load %arg8[%parallel_loop3A_243, %parallel_loop3A_244] {strides = array<i32>} : memref<16x640xf32, #tpu.memory_space<vmem>>, vector<16xf32>,
      %parallel_loop3A_246 = arith.addf %parallel_loop3A_241, %parallel_loop3A_245 : vector<16xf32>
      %parallel_loop3A_247 = arith.constant 14 : i32
      %parallel_loop3A_248 = arith.index_cast %parallel_loop3A_247 : i32 to index
      %parallel_loop3A_249 = arith.index_cast %parallel_loop3A_177 : i32 to index
      %parallel_loop3A_250 = tpu.vector_load %arg8[%parallel_loop3A_248, %parallel_loop3A_249] {strides = array<i32>} : memref<16x640xf32, #tpu.memory_space<vmem>>, vector<16xf32>,
      %parallel_loop3A_251 = arith.addf %parallel_loop3A_246, %parallel_loop3A_250 : vector<16xf32>
      %parallel_loop3A_252 = arith.constant 15 : i32
      %parallel_loop3A_253 = arith.index_cast %parallel_loop3A_252 : i32 to index
      %parallel_loop3A_254 = arith.index_cast %parallel_loop3A_177 : i32 to index
      %parallel_loop3A_255 = tpu.vector_load %arg8[%parallel_loop3A_253, %parallel_loop3A_254] {strides = array<i32>} : memref<16x640xf32, #tpu.memory_space<vmem>>, vector<16xf32>,
      %parallel_loop3A_256 = arith.addf %parallel_loop3A_251, %parallel_loop3A_255 : vector<16xf32>
      %parallel_loop3A_257 = arith.divf %broadcast_in_dim3A_167, %parallel_loop3A_256 : vector<16xf32>
      %parallel_loop3A_258 = arith.index_cast %parallel_loop3A_177 : i32 to index
      %parallel_loop3A_259 = tpu.vector_load %arg9[%parallel_loop3A_258] {strides = array<i32>} : memref<640xf32, #tpu.memory_space<vmem>>, vector<16xf32>,
      tpu.vector_store %arg9[%parallel_loop3A_258], %parallel_loop3A_257 {strides = array<i32>} : memref<640xf32, #tpu.memory_space<vmem>>, vector<16xf32>,
    } {sc.loop_unroll_factor = 2 : i64, sc.parallel_access}
    "tpu.region"() ({
      %run_scoped3A = tpu.sem_alloc : memref<!tpu.dma_semaphore, #tpu.memory_space<semaphore_mem>>
      %dma_start3A_175 = tpu.memref_slice %arg12[%mul3A_165] : memref<10240xf32, #tpu.memory_space<vmem_shared>> -> memref<640xf32, #tpu.memory_space<vmem_shared>>
      %dma_start3A_176 = tpu.memref_slice %arg12[%mul3A_165] : memref<10240xf32, #tpu.memory_space<vmem_shared>> -> memref<640xf32, #tpu.memory_space<vmem_shared>>
      tpu.enqueue_dma source(%arg9 : memref<640xf32, #tpu.memory_space<vmem>>) target(%dma_start3A_176 : memref<640xf32, #tpu.memory_space<vmem_shared>>) target_semaphore(%run_scoped3A : memref<!tpu.dma_semaphore, #tpu.memory_space<semaphore_mem>>)
      %dma_wait3A_177 = tpu.memref_slice %arg12[%mul3A_165] : memref<10240xf32, #tpu.memory_space<vmem_shared>> -> memref<640xf32, #tpu.memory_space<vmem_shared>>
      %dma_wait3A_178 = tpu.memref_slice %arg12[%mul3A_165] : memref<10240xf32, #tpu.memory_space<vmem_shared>> -> memref<640xf32, #tpu.memory_space<vmem_shared>>
      tpu.wait_dma2 semaphore(%run_scoped3A : memref<!tpu.dma_semaphore, #tpu.memory_space<semaphore_mem>>) src(%arg9 : memref<640xf32, #tpu.memory_space<vmem>>) dst(%dma_wait3A_178 : memref<640xf32, #tpu.memory_space<vmem_shared>>)
      tpu.yield
    }) : () -> ()
    %barrier3A_171 = arith.constant 0 : index
    tpu.barrier barrier_id(%barrier3A_171)
    "tpu.region"() ({
      %run_scoped3A = tpu.sem_alloc : memref<!tpu.dma_semaphore, #tpu.memory_space<semaphore_mem>>
      tpu.enqueue_dma source(%arg12 : memref<10240xf32, #tpu.memory_space<vmem_shared>>) target(%arg7 : memref<10240xf32, #tpu.memory_space<vmem>>) target_semaphore(%run_scoped3A : memref<!tpu.dma_semaphore, #tpu.memory_space<semaphore_mem>>)
      tpu.wait_dma2 semaphore(%run_scoped3A : memref<!tpu.dma_semaphore, #tpu.memory_space<semaphore_mem>>) src(%arg12 : memref<10240xf32, #tpu.memory_space<vmem_shared>>) dst(%arg7 : memref<10240xf32, #tpu.memory_space<vmem>>)
      tpu.yield
    }) : () -> ()
    %parallel_loop3A_172 = arith.constant 0 : i32
    %parallel_loop3A_173 = arith.constant 625 : i32
    %parallel_loop3A_174 = arith.constant 1 : i32
    scf.for %parallel_loop3A_175 = %parallel_loop3A_172 to %parallel_loop3A_173 step %parallel_loop3A_174  : i32 {
      %parallel_loop3A_176 = arith.constant 16 : i32
      %parallel_loop3A_177 = arith.muli %parallel_loop3A_175, %parallel_loop3A_176 : i32
      %parallel_loop3A_178 = arith.addi %mul3A_2, %parallel_loop3A_177 : i32
      %parallel_loop3A_179 = arith.constant 16 : i32
      %parallel_loop3A_180 = arith.addi %parallel_loop3A_179, %parallel_loop3A_178 : i32
      %parallel_loop3A_181 = arith.index_cast %parallel_loop3A_180 : i32 to index
      %parallel_loop3A_182 = tpu.vector_load %arg5[%parallel_loop3A_181] {strides = array<i32>} : memref<20032xi32, #tpu.memory_space<vmem>>, vector<16xi32>,
      %parallel_loop3A_183 = arith.index_cast %parallel_loop3A_178 : i32 to index
      %parallel_loop3A_184 = tpu.vector_load %arg6[%parallel_loop3A_183] {strides = array<i32>} : memref<20000xf32, #tpu.memory_space<vmem>>, vector<16xf32>,
      %parallel_loop3A_185 = tpu.vector_load_idx %arg7[%parallel_loop3A_182] : memref<10240xf32, #tpu.memory_space<vmem>>[vector<16xi32>], vector<16xf32>,
      %parallel_loop3A_186 = arith.mulf %parallel_loop3A_184, %parallel_loop3A_185 : vector<16xf32>
      %parallel_loop3A_187 = arith.constant 16 : i32
      %parallel_loop3A_188 = arith.muli %parallel_loop3A_175, %parallel_loop3A_187 : i32
      %parallel_loop3A_189 = arith.index_cast %parallel_loop3A_188 : i32 to index
      %parallel_loop3A_190 = tpu.vector_load %arg10[%parallel_loop3A_189] {strides = array<i32>} : memref<10000xf32, #tpu.memory_space<vmem>>, vector<16xf32>,
      tpu.vector_store %arg10[%parallel_loop3A_189], %parallel_loop3A_186 {strides = array<i32>} : memref<10000xf32, #tpu.memory_space<vmem>>, vector<16xf32>,
    } {sc.loop_unroll_factor = 4 : i64, sc.parallel_access}
    "tpu.region"() ({
      %run_scoped3A = tpu.sem_alloc : memref<!tpu.dma_semaphore, #tpu.memory_space<semaphore_mem>>
      %dma_start3A_175 = tpu.memref_slice %arg4[%add3A] : memref<320000xf32, #tpu.memory_space<hbm>> -> memref<10000xf32, #tpu.memory_space<hbm>>
      %dma_start3A_176 = tpu.memref_slice %arg4[%add3A] : memref<320000xf32, #tpu.memory_space<hbm>> -> memref<10000xf32, #tpu.memory_space<hbm>>
      tpu.enqueue_dma source(%arg10 : memref<10000xf32, #tpu.memory_space<vmem>>) target(%dma_start3A_176 : memref<10000xf32, #tpu.memory_space<hbm>>) target_semaphore(%run_scoped3A : memref<!tpu.dma_semaphore, #tpu.memory_space<semaphore_mem>>)
      %dma_wait3A_177 = tpu.memref_slice %arg4[%add3A] : memref<320000xf32, #tpu.memory_space<hbm>> -> memref<10000xf32, #tpu.memory_space<hbm>>
      %dma_wait3A_178 = tpu.memref_slice %arg4[%add3A] : memref<320000xf32, #tpu.memory_space<hbm>> -> memref<10000xf32, #tpu.memory_space<hbm>>
      tpu.wait_dma2 semaphore(%run_scoped3A : memref<!tpu.dma_semaphore, #tpu.memory_space<semaphore_mem>>) src(%arg10 : memref<10000xf32, #tpu.memory_space<vmem>>) dst(%dma_wait3A_178 : memref<10000xf32, #tpu.memory_space<hbm>>)
      tpu.yield
    }) : () -> ()
    return
  }
}

module attributes {stable_mosaic.version = 14 : i64} {
  func.func @_tc_logit_body(%arg0: i32, %arg1: memref<16000x128xf32, #tpu.memory_space<vmem>>, %arg2: memref<1x128xf32, #tpu.memory_space<vmem>>, %arg3: memref<320000xf32, #tpu.memory_space<vmem>>) attributes {dimension_semantics = [#tpu.dimension_semantics<arbitrary>], iteration_bounds = array<i64: 20>, scalar_prefetch = 0 : i64, scratch_operands = 0 : i64, tpu.core_type = #tpu.core_type<tc>, window_params = [{transform_indices = @transform_0, window_bounds = array<i64: 16000, 128>}, {pipeline_mode = #tpu.pipeline_mode<synchronous>, transform_indices = @transform_1, window_bounds = array<i64: 1, 128>}, {pipeline_mode = #tpu.pipeline_mode<synchronous>, transform_indices = @transform_2, window_bounds = array<i64: 320000>}]} {
    %get3A = arith.constant 0 : index
    %get3A_0 = arith.constant 0 : index
    %get3A_1 = vector.load %arg1[%get3A, %get3A_0] : memref<16000x128xf32, #tpu.memory_space<vmem>>, vector<16000x128xf32>
    %get3A_2 = arith.constant 0 : index
    %get3A_3 = arith.constant 0 : index
    %get3A_4 = vector.load %arg2[%get3A_2, %get3A_3] : memref<1x128xf32, #tpu.memory_space<vmem>>, vector<1x128xf32>
    %dot_general3A = arith.constant dense<0.000000e+00> : vector<1x16000xf32>
    %dot_general3A_5 = tpu.matmul %get3A_4, %get3A_1, %dot_general3A {dimension_numbers = #tpu.dot_dimension_numbers<[1], [1], [0], [0], [0, 0, 1, 0], [], []>, transpose_lhs_hint = false} : vector<1x128xf32>, vector<16000x128xf32>, vector<1x16000xf32> -> vector<1x16000xf32>
    %exp3A = math.exp %dot_general3A_5 : vector<1x16000xf32>
    %reshape3A = vector.shape_cast %exp3A : vector<1x16000xf32> to vector<16000xf32>
    %mul3A = arith.constant 16000 : i32
    %mul3A_6 = arith.muli %arg0, %mul3A : i32
    %swap3A = arith.index_cast %mul3A_6 : i32 to index
    %swap3A_7 = vector.load %arg3[%swap3A] : memref<320000xf32, #tpu.memory_space<vmem>>, vector<16000xf32>
    tpu.vector_store %arg3[%swap3A], %reshape3A {strides = array<i32>} : memref<320000xf32, #tpu.memory_space<vmem>>, vector<16000xf32>,
    return
  }
  func.func @transform_0(%arg0: i32) -> (i32, i32) {
    %c0_i32 = arith.constant 0 : i32
    %c0_i32_0 = arith.constant 0 : i32
    return %arg0, %c0_i32 : i32, i32
  }
  func.func @transform_1(%arg0: i32) -> (i32, i32) {
    %c0_i32 = arith.constant 0 : i32
    %c0_i32_0 = arith.constant 0 : i32
    %c0_i32_1 = arith.constant 0 : i32
    return %c0_i32, %c0_i32_0 : i32, i32
  }
  func.func @transform_2(%arg0: i32) -> i32 {
    %c0_i32 = arith.constant 0 : i32
    %c0_i32_0 = arith.constant 0 : i32
    return %c0_i32 : i32
  }
}

</mosaic_0001>

<sc_bundles>
// kernel: kernel.4.cloned.1.call-start
scs
__scs_entry_jumppad:
0x0: {  	(pc) =	sbr.rel $0x88, $3  }
0x1: {  	(tag) =	ssettag $0x0;
	lr =	simm.s32 $0x1  }
0x2: {  	[smem:$0x3F9E] =	sst lr;
	_ =	strace $0xD0000000  }
0x3: {  	_ = 	snop  }
0x4: {  	_ = 	snop  }
0x5: {  	_ = 	snop  }
0x6: {  	_ = 	snop  }
0x7: {  	_ = 	snop  }
__scs_overlays_trampoline_lowered:
0x8: {  	[smem:$0x3FAD] =	sst s0  }
0x9: {  	[smem:$0x3FAE] =	sst s1  }
0xa: {  	[smem:$0x3FAF] =	sst s2  }
0xb: {  	[smem:$0x3FB0] =	sst s3  }
0xc: {  	[smem:$0x3FB1] =	sst s4  }
0xd: {  	[smem:$0x3FB2] =	sst s5  }
0xe: {  	[smem:$0x3FB3] =	sst s6  }
0xf: {  	[smem:$0x3FB4] =	sst s7  }
0x10: {  	[smem:$0x3FB5] =	sst s8  }
0x11: {  	[smem:$0x3FB6] =	sst s9;
	s0 =	simm.s32 @!p0 $0x0  }
0x12: {  	s1 =	sld [smem:$0x3F9C];
	s0 =	simm.s32 @p0 $0x1  }
0x13: {  	[smem:$0x3FB7] =	sst s0;
	s0 =	simm.s32 @!p1 $0x0  }
0x14: {  	s2 =	sld [smem:$0x3F9B];
	s0 =	simm.s32 @p1 $0x1  }
0x15: {  	[smem:$0x3FB8] =	sst s0;
	s0 =	simm.s32 @!p2 $0x0  }
0x16: {  	s3 =	sld [smem:$0x3FDB];
	s0 =	simm.s32 @p2 $0x1  }
0x17: {  	s4 =	simm.s32 $0x1BF5;
	[smem:$0x3FBA] =	sst s0  }
0x18: {  	s0 =	sld [smem:$0x3F9D];
	_ =	swait.ge [sflag:s4], $0x0  }
0x19: {  	s7 =	sld [smem:$0x3F9E]  }
0x1a: {  	s8 =	sadd.s32 $0xFFFFE003, lr  }
0x1b: {  	s9 =	sadd.s32 $0xFFFFFEF7, lr;
	s5 =	simm.s32 $0xFFFFFFFF;
	p2 =	slt.u32 s8, $0xFFFFF086  }
0x1c: {  	p1 =	slt.u32 s9, $0xF7A;
	s5 =	simm.s32 @!p2 $0x0  }
0x1d: {  	s5 =	simm.s32 @p1 $0x1;
	p0 =	seq.s32 s7, s2  }
0x1e: {  	s7 =	smul.u32 @!p0 $0xF7A, s2;
	p2 =	seq.s32 @!p0 s5, $0x0  }
0x1f: {  	s9 =	smul.u32 $0xF7A, s1;
	s8 =	simm.s32 @!p0 $0x1BF5;
	p2 =	por !p2, p0  }
0x20: {  	[sflag:s8] =	ssyncset.s32 @!p0 $0xFFFFF086;
	s6 =	sadd.s32 @!p0 s3, s7;
	s7 =	simm.s32 @!p0 $0x108  }
0x21: {  	s3 =	sadd.s32 s3, s9;
	s6 =	sadd.s32 @!p0 $0x88, s6;
	s7 =	simm.s32 @p2 $0x1082  }
0x22: {  	[simem:s7], [sflag:s8] =	dma.local @!p0 [hbm:s6], $0xF7A  }
0x23: {  	s9 =	sor.u32 $0xD0000000, s2;
	s6 =	simm.s32 $0x108;
	_ =	swait.ge @!p0 [sflag:s8], $0x0  }
0x24: {  	s3 =	sadd.s32 $0x88, s3;
	s6 =	simm.s32 @!p1 $0x1082;
	[sflag:s4] =	ssyncset.s32 $0xFFFFF086  }
0x25: {  	[simem:s6], [sflag:s4] =	dma.local [hbm:s3], $0xF7A  }
0x26: {  	[smem:$0x3F9E] =	sst s1;
	(tag) =	ssettag s2;
	_ =	strace s9  }
0x27: {  	s1 =	sld [smem:$0x3FAE]  }
0x28: {  	s2 =	sld [smem:$0x3FAF]  }
0x29: {  	s4 =	sld [smem:$0x3FB1]  }
0x2a: {  	p0 =	seq.s32 s5, $0x0;
	s5 =	sld [smem:$0x3FB2]  }
0x2b: {  	s6 =	sld [smem:$0x3FB3]  }
0x2c: {  	s7 =	sld [smem:$0x3FB4]  }
0x2d: {  	s3 =	simm.s32 $0x108;
	s8 =	sld [smem:$0x3FB5]  }
0x2e: {  	s3 =	simm.s32 @!p0 $0x1082;
	s9 =	sld [smem:$0x3FB6]  }
0x2f: {  	lr =	sadd.s32 s0, s3;
	s0 =	sld [smem:$0x3FAD]  }
0x30: {  	s3 =	sld [smem:$0x3FB0]  }
0x31: {  	[smem:$0x3FB9] =	sst s10  }
0x32: {  	s10 =	sld [smem:$0x3FB7];
	_ =	sdelay $0x3  }
0x33: {  	p0 =	seq.s32 s10, $0x1;
	s10 =	sld [smem:$0x3FB9];
	_ =	sdelay $0x3  }
0x34: {  	[smem:$0x3FB9] =	sst s10  }
0x35: {  	s10 =	sld [smem:$0x3FB8];
	_ =	sdelay $0x3  }
0x36: {  	p1 =	seq.s32 s10, $0x1;
	s10 =	sld [smem:$0x3FB9];
	_ =	sdelay $0x3  }
0x37: {  	[smem:$0x3FB9] =	sst s10  }
0x38: {  	s10 =	sld [smem:$0x3FBA]  }
0x39: {  	_ = 	snop;
	(pc) =	sbr.ind lr, $3  }
0x3a: {  	_ = 	snop  }
0x3b: {  	_ = 	snop  }
0x3c: {  	p2 =	seq.s32 s10, $0x1;
	s10 =	sld [smem:$0x3FB9]  }
0x3d: {  	_ =	shalt  }
0x3e: {  	_ =	shalt  }
0x3f: {  	_ =	shalt  }
0x40: {  	_ =	shalt  }
0x41: {  	_ =	shalt  }
0x42: {  	_ =	shalt  }
0x43: {  	_ =	shalt  }
0x44: {  	_ =	shalt  }
0x45: {  	_ =	shalt  }
0x46: {  	_ =	shalt  }
0x47: {  	_ =	shalt  }
0x48: {  	_ =	shalt  }
0x49: {  	_ =	shalt  }
0x4a: {  	_ =	shalt  }
0x4b: {  	_ =	shalt  }
0x4c: {  	_ =	shalt  }
0x4d: {  	_ =	shalt  }
0x4e: {  	_ =	shalt  }
0x4f: {  	_ =	shalt  }
0x50: {  	_ =	shalt  }
0x51: {  	_ =	shalt  }
0x52: {  	_ =	shalt  }
0x53: {  	_ =	shalt  }
0x54: {  	_ =	shalt  }
0x55: {  	_ =	shalt  }
0x56: {  	_ =	shalt  }
0x57: {  	_ =	shalt  }
0x58: {  	_ =	shalt  }
0x59: {  	_ =	shalt  }
0x5a: {  	_ =	shalt  }
0x5b: {  	_ =	shalt  }
0x5c: {  	_ =	shalt  }
0x5d: {  	_ =	shalt  }
0x5e: {  	_ =	shalt  }
0x5f: {  	_ =	shalt  }
0x60: {  	_ =	shalt  }
0x61: {  	_ =	shalt  }
0x62: {  	_ =	shalt  }
0x63: {  	_ =	shalt  }
0x64: {  	_ =	shalt  }
0x65: {  	_ =	shalt  }
0x66: {  	_ =	shalt  }
0x67: {  	_ =	shalt  }
0x68: {  	_ =	shalt  }
0x69: {  	_ =	shalt  }
0x6a: {  	_ =	shalt  }
0x6b: {  	_ =	shalt  }
0x6c: {  	_ =	shalt  }
0x6d: {  	_ =	shalt  }
0x6e: {  	_ =	shalt  }
0x6f: {  	_ =	shalt  }
0x70: {  	_ =	shalt  }
0x71: {  	_ =	shalt  }
0x72: {  	_ =	shalt  }
0x73: {  	_ =	shalt  }
0x74: {  	_ =	shalt  }
0x75: {  	_ =	shalt  }
0x76: {  	_ =	shalt  }
0x77: {  	_ =	shalt  }
0x78: {  	_ =	shalt  }
0x79: {  	_ =	shalt  }
0x7a: {  	_ =	shalt  }
0x7b: {  	_ =	shalt  }
0x7c: {  	_ =	shalt  }
0x7d: {  	_ =	shalt  }
0x7e: {  	_ =	shalt  }
0x7f: {  	_ =	shalt  }
0x80: {  	_ =	shalt  }
0x81: {  	_ =	shalt  }
0x82: {  	_ =	shalt  }
0x83: {  	_ =	shalt  }
0x84: {  	_ =	shalt  }
0x85: {  	_ =	shalt  }
0x86: {  	_ =	shalt  }
0x87: {  	_ =	shalt  }
.Lfunc_end0:
.L_simem_size_0:
called_computation_lowered:
.L_overlay_start_0:
0x88: {  	s2 =	sld [smem:$0x3FD9]  }
0x89: {  	s3 =	sld [smem:$0x3FFE];
	_ =	sdelay $0x1  }
0x8a: {  	s1 =	srdreg.scid  }
0x8b: {  	s0 =	sand.u32 $0x1, s1  }
0x8c: {  	s17 =	sshll.u32 s0, $0xA;
	s2 =	sadd.s32 s3, s2  }
0x8d: {  	s2 =	sadd.s32 s2, s17  }
0x8e: {  	[smem:$0x3FC5] =	sst s2  }
0x8f: {  	_ = 	snop  }
0x90: {  	s2 =	sld [smem:$0x3FC8];
	(tm) =	ssettm $0x1  }
0x91: {  	s18 =	sld [smem:$0x3FFB];
	_ =	sdelay $0x3  }
0x92: {  	_ =	strace s18  }
0x93: {  	s3 =	sld [smem:$0x3FFC];
	_ =	sdelay $0x3  }
0x94: {  	_ =	strace s3  }
0x95: {  	s3 =	sld [smem:$0x3FFD];
	_ =	sdelay $0x3  }
0x96: {  	_ =	strace s3  }
0x97: {  	_ =	strace $0x8FFFFFFF  }
0x98: {  	s19 =	sld [smem:$0x3FDB];
	_ =	sdelay $0x1  }
0x99: {  	s4 =	simm.s32 $_scs_section_size  }
0x9a: {  	s5 =	simm.s32 $_size__tile_overlayer_lowered;
	s6 =	simm.s32 $_tile_overlayer_lowered  }
0x9b: {  	s22 =	simm.s32 $0x1BFF;
	s21 =	sshll.u32 s6, $0x1;
	s3 =	sadd.s32 s4, s19  }
0x9c: {  	s7 =	simm.s32 $0x0;
	s20 =	sshll.u32 s5, $0x1;
	s5 =	sadd.s32 s21, s3  }
0x9d: {  	[timem:s7], [sflag:s22] =	dma.local [hbm:s5], s20  }
0x9e: {  	_ =	swait.ge [sflag:s22], s20  }
0x9f: {  	s4 =	ssub.s32 $0x0, s20;
	[sflag:s22] =	ssyncset.done $0x0  }
0xa0: {  	[sflag:s22] =	ssyncadd.s32 s4;
	_ =	sdelay $0x1  }
0xa1: {  	s23 =	simm.s32 $0x1B8B  }
0xa2: {  	_ =	swait.ge [sflag:s23], $0x1  }
0xa3: {  	[sflag:s23] =	ssyncset.done $0x0  }
0xa4: {  	s25 =	simm.s32 $0x1B8E;
	s24 =	sld [smem:$0x3FFE];
	[sflag:s23] =	ssyncadd.s32 $0xFFFFFFFF  }
0xa5: {  	s26 =	simm.s32 $execute0_lowered;
	[smem:$0x3FD2] =	sst s25  }
0xa6: {  	s5 =	sshll.u32 s26, $0x1;
	_ =	strace $0x80000046;
	[dreg:$0x1] =	wrdreg $0xFFFFFFFF  }
0xa7: {  	s28 =	simm.s32 $_size_execute0_lowered;
	s3 =	sadd.s32 s3, s5;
	[dreg:$0x0] =	wrdreg $0x0  }
0xa8: {  	s5 =	sshll.u32 s28, $0x1;
	[dreg:$0x2] =	wrdreg s3  }
0xa9: {  	[dreg:$0x3] =	wrdreg s5  }
0xaa: {  	[dreg:$0x4] =	wrdreg $0xC0  }
0xab: {  	_ =	task [dreg:s7], $0x5FFFF  }
0xac: {  	[dreg:$0x1] =	wrdreg $0xFFFFFFFF  }
0xad: {  	[dreg:$0x0] =	wrdreg $0x60  }
0xae: {  	[dreg:$0x2] =	wrdreg s24  }
0xaf: {  	[dreg:$0x3] =	wrdreg s2  }
0xb0: {  	[dreg:$0x4] =	wrdreg $0x117000  }
0xb1: {  	[dreg:$0x5] =	wrdreg $0x13F000  }
0xb2: {  	[dreg:$0x6] =	wrdreg $0x9  }
0xb3: {  	_ =	task.clear_ibuf [dreg:s7], $0x7FFFF;
	_ =	strace $0x90000046  }
0xb4: {  	s29 =	simm.s32 $0x9;
	_ =	strace $0x80000048  }
0xb5: {  	_ =	swait.ge [sflag:s29], $0x1  }
0xb6: {  	[sflag:s29] =	ssyncadd.s32 $0xFFFFFFFF  }
0xb7: {  	_ =	strace $0x90000048  }
0xb8: {  	_ =	sfence  }
0xb9: {  	s30 =	sld [smem:$0x0];
	_ =	sdelay $0x2  }
0xba: {  	s31 =	sshll.u32 s1, $0xD;
	s1 =	sshrl.u32 s1, $0x2  }
0xbb: {  	s3 =	sand.u32 $0x4000, s31;
	s1 =	sadd.s32 s1, s30  }
0xbc: {  	s0 =	sor.u32 s3, s0;
	s1 =	sshll.u32 s1, $0x11  }
0xbd: {  	s0 =	sor.u32 s1, s0  }
0xbe: {  	s0 =	sadd.s32 $0x8F2B, s0  }
0xbf: {  	[sflag:s0] =	ssyncadd.remote.s32 $0x1  }
0xc0: {  	_ =	sfence.sel $0xFFFF  }
0xc1: {  	[dreg:$0x0] =	wrdreg $0xFFFFFFFF;
	(pc) =	sbr.abs _section_cstart, $3  }
0xc2: {  	[dreg:$0x1] =	wrdreg $0xFFFFFFFF  }
0xc3: {  	_ =	task.clear_ibuf [dreg:s7], $0x2FFFF;
	_ =	strace $0x9FFFFFFF  }
0xc4: {  	(tm) =	ssettm $0x7FFFFFFF  }
0xc5: {  	_ =	shalt  }
tec
execute0_lowered:
.L_overlay_start_1:
0x0: {  	(tag) =	ssettag $0x1  }
0x1: {  	s0 =	rddreg [dreg:$0x0]  }
0x2: {  	s1 =	rddreg [dreg:$0x1]  }
0x3: {  	s2 =	rddreg [dreg:$0x2]  }
0x4: {  	s3 =	srdreg.scid;
	s11 =	stileid.u32  }
0x5: {  	s12 =	rddreg [dreg:$0x3];
	s28 =	simm.s32 $0x8;
	s6 =	smul.u32 $0x4E20, s11  }
0x6: {  	s29 =	simm.s32 $0x4;
	s30 =	simm.s32 $0x9;
	s22 =	smul.u32 $0x5000, s11  }
0x7: {  	s31 =	simm.s32 $0x5;
	s5 =	sand.u32 $0x1, s3;
	s23 =	smul.u32 $0xA00, s11  }
0x8: {  	s3 =	simm.s32 $0x0;
	s18 =	sshrl.u32 s11, $0x3;
	s4 =	smul.u32 $0x2710, s5  }
0x9: {  	s9 =	sadd.s32 $0x800, s0;
	s21 =	sshll.u32 s11, $0x7;
	s20 =	smul.u32 $0x50000, s18  }
0xa: {  	[smem:$0x7FF] =	sst s3;
	s8 =	ssub.s32 $0x2, s5;
	s5 =	smul.u32 $0x9C40, s5  }
0xb: {  	_ =	strace $0x80000047;
	s7 =	sadd.s32 s4, s6;
	s6 =	sshrl.u32 s6, $0x3  }
0xc: {  	s10 =	sshrl.u32 s8, $0x1;
	s7 =	sshrl.u32 s7, $0x3;
	s24 =	sadd.s32 s9, s6  }
0xd: {  	s25 =	sadd.s32 s1, s6;
	s26 =	sadd.s32 $0x1F4, s6;
	s14 =	sadd.s32 $0x3E8, s6  }
0xe: {  	s16 =	sadd.s32 $0x5DC, s6;
	s6 =	sadd.s32 $0x7D0, s6;
	[dreg:$0x5] =	wrdreg s24  }
0xf: {  	s0 =	sadd.s32 s7, s0;
	[dreg:$0x6] =	wrdreg s25;
	s13 =	sadd.s32 s9, s26  }
0x10: {  	s7 =	ssub.s32 s8, s10;
	s8 =	sadd.s32 s1, s26;
	[dreg:$0x7] =	wrdreg s13  }
0x11: {  	s15 =	sadd.s32 s9, s14;
	s17 =	sadd.s32 s9, s16;
	[dreg:$0x8] =	wrdreg s8  }
0x12: {  	s19 =	sadd.s32 s9, s6;
	s25 =	sshrl.u32 s23, $0x2;
	[dreg:$0x9] =	wrdreg s15  }
0x13: {  	s26 =	sshrl.u32 s5, $0x2;
	s23 =	simm.s32 $0x9D00;
	[dreg:$0xb] =	wrdreg s17  }
0x14: {  	s5 =	simm.s32 $0x0;
	s8 =	sadd.s32 s1, s14;
	[dreg:$0xd] =	wrdreg s19  }
0x15: {  	s0 =	sadd.s32 $0xA600, s0;
	s19 =	smax.u32 s7, $0x1;
	[dreg:$0xa] =	wrdreg s8  }
0x16: {  	s8 =	sadd.s32 s1, s16;
	s1 =	sadd.s32 s1, s6;
	[dreg:$0x12] =	wrdreg s0  }
0x17: {  	s6 =	sshrl.u32 s22, $0x2;
	s0 =	simm.s32 $0x1;
	[dreg:$0xc] =	wrdreg s8  }
0x18: {  	s22 =	simm.s32 $0x6;
	[dreg:$0xe] =	wrdreg s1;
	s1 =	sand.u32 $0x380, s21  }
0x19: {  	s8 =	sshrl.u32 s20, $0x2;
	s24 =	sadd.s32 s6, s2;
	s20 =	sadd.s32 $0x4EA0, s26  }
0x1a: {  	s21 =	sadd.s32 $0x40, s26;
	s26 =	simm.s32 $0x3;
	s8 =	sadd.s32 s8, s2  }
0x1b: {  	[dreg:$0x10] =	wrdreg s24;
	s24 =	simm.s32 $0x2;
	s1 =	sadd.s32 s1, s8  }
0x1c: {  	s2 =	simm.s32 $0xB;
	[dreg:$0xf] =	wrdreg s1;
	s1 =	sadd.s32 s25, s12  }
0x1d: {  	v0 =	vimm.f32 $0.0e+00;
	vm0 =	vcmask $0x3F3C;
	vm1 =	vmmov $0x1;
	s25 =	simm.s32 $0x7;
	[dreg:$0x11] =	wrdreg s1;
	s1 =	simm.s32 $0xA  }
.LBB2_1:
0x1e: {  	s6 =	rddreg [dreg:$0x5];
	s7 =	simm.s32 $0x4E80  }
0x1f: {  	[tilespmem:s7], [sflag:$0x1] =	stream.linear.gather [hbm4b:s6+s3], $0xFA0, $0x38;
	[tilespmem:$0x14180] =	vst v63  }
0x20: {  	s13 =	rddreg [dreg:$0x6];
	s14 =	simm.s32 $0x10  }
0x21: {  	[tilespmem:s14], [sflag:$0x6] =	stream.linear.gather [hbm4b:s13+s3], $0xFA0, $0x38;
	[tilespmem:$0x14180] =	vst v63  }
0x22: {  	s15 =	rddreg [dreg:$0x7];
	s16 =	simm.s32 $0x5E20  }
0x23: {  	[tilespmem:s16], [sflag:$0x2] =	stream.linear.gather [hbm4b:s15+s3], $0xFA0, $0x38;
	[tilespmem:$0x14180] =	vst v63  }
0x24: {  	s17 =	rddreg [dreg:$0x8];
	s18 =	simm.s32 $0xFB0  }
0x25: {  	[tilespmem:s18], [sflag:$0x7] =	stream.linear.gather [hbm4b:s17+s3], $0xFA0, $0x38;
	[tilespmem:$0x14180] =	vst v63  }
0x26: {  	s8 =	simm.s32 $0x6DC0;
	s7 =	rddreg [dreg:$0x9]  }
0x27: {  	[tilespmem:s8], [sflag:$0x3] =	stream.linear.gather [hbm4b:s7+s3], $0xFA0, $0x38;
	[tilespmem:$0x14180] =	vst v63  }
0x28: {  	s9 =	rddreg [dreg:$0xa];
	s10 =	simm.s32 $0x1F50  }
0x29: {  	[tilespmem:s10], [sflag:$0x8] =	stream.linear.gather [hbm4b:s9+s3], $0xFA0, $0x38;
	[tilespmem:$0x14180] =	vst v63  }
0x2a: {  	s11 =	rddreg [dreg:$0xb];
	s12 =	simm.s32 $0x7D60  }
0x2b: {  	[tilespmem:s12], [sflag:$0x4] =	stream.linear.gather [hbm4b:s11+s3], $0xFA0, $0x38;
	[tilespmem:$0x14180] =	vst v63  }
0x2c: {  	s13 =	rddreg [dreg:$0xc];
	s14 =	simm.s32 $0x2EF0  }
0x2d: {  	[tilespmem:s14], [sflag:$0x9] =	stream.linear.gather [hbm4b:s13+s3], $0xFA0, $0x38;
	[tilespmem:$0x14180] =	vst v63  }
0x2e: {  	s15 =	rddreg [dreg:$0xd];
	s16 =	simm.s32 $0x8D00  }
0x2f: {  	[tilespmem:s16], [sflag:$0x5] =	stream.linear.gather [hbm4b:s15+s3], $0xFA0, $0x38;
	[tilespmem:$0x14180] =	vst v63  }
0x30: {  	s6 =	simm.s32 $0x9D40;
	s17 =	rddreg [dreg:$0xe];
	s18 =	simm.s32 $0x3E90  }
0x31: {  	[tilespmem:s18], [sflag:$0xA] =	stream.linear.gather [hbm4b:s17+s3], $0xFA0, $0x38;
	[tilespmem:$0x14180] =	vst v63  }
0x32: {  	[tilespmem:s6+$0xFFFFFFC0] =	vst v0  }
0x33: {  	[tilespmem:s6+$0x30] =	vst v0  }
0x34: {  	[tilespmem:s6+$0x20] =	vst v0  }
0x35: {  	[tilespmem:s6+$0x10] =	vst v0  }
0x36: {  	[tilespmem:s6+$0x0] =	vst v0  }
0x37: {  	[tilespmem:s6+$0xFFFFFFF0] =	vst v0  }
0x38: {  	s7 =	simm.s32 $0x0;
	[tilespmem:s6+$0xFFFFFFE0] =	vst v0  }
.LBB2_2:
0x39: {  	s7 =	sadd.s32 $0x8, s7;
	[tilespmem:s6+$0xFFFFFFD0] =	vst v0;
	s6 =	sadd.s32 $0x80, s6  }
0x3a: {  	[tilespmem:s6+$0xFFFFFFC0] =	vst v0;
	p0 =	slt.u32 s7, $0x278  }
0x3b: {  	[tilespmem:s6+$0x30] =	vst v0  }
.Ltmp0:
0x3c: {  	[tilespmem:s6+$0x20] =	vst v0;
	(pc) =	sbr.rel @p0 .LBB2_2-.Ltmp0, $4  }
0x3d: {  	[tilespmem:s6+$0x10] =	vst v0  }
0x3e: {  	[tilespmem:s6+$0x0] =	vst v0  }
0x3f: {  	[tilespmem:s6+$0xFFFFFFF0] =	vst v0  }
0x40: {  	[tilespmem:s6+$0xFFFFFFE0] =	vst v0  }
0x41: {  	[tilespmem:s6+$0xFFFFFFD0] =	vst v0  }
0x42: {  	_ =	swait.ge [sflag:s0], $0xFA0  }
0x43: {  	[sflag:s0] =	ssyncset.done $0x0  }
0x44: {  	[sflag:s0] =	ssyncadd.s32 $0xFFFFF060  }
0x45: {  	_ =	swait.ge [sflag:s22], $0xFA0  }
0x46: {  	[sflag:s22] =	ssyncset.done $0x0  }
0x47: {  	s7 =	simm.s32 $0x41;
	[sflag:s22] =	ssyncadd.s32 $0xFFFFF060  }
0x48: {  	v1 =	vld [tilespmem:s7+$0xFFFFFFDF]  }
0x49: {  	v11 =	vld [tilespmem:s7+$0xFFFFFFE0]  }
0x4a: {  	v13 =	vld [tilespmem:s7+$0xFFFFFFDE]  }
0x4b: {  	v2 =	vld [tilespmem:s7+$0xFFFFFFEE]  }
0x4c: {  	v17 =	vld [tilespmem:s7+$0x0]  }
0x4d: {  	v14 =	vld [tilespmem:s7+$0x40]  }
0x4e: {  	v15 =	vld [tilespmem:s7+$0x3E]  }
0x4f: {  	s6 =	simm.s32 $0x4EC0;
	v10 =	vld [tilespmem:s7+$0xFFFFFFCE]  }
0x50: {  	v12 =	vld [tilespmem:s6+$0xFFFFFFC0]  }
0x51: {  	v3 =	vld [tilespmem:s7+$0xFFFFFFD0]  }
0x52: {  	v16 =	vld [tilespmem:s7+$0xFFFFFFCF]  }
0x53: {  	v6 =	vld [tilespmem:s7+$0x3F]  }
0x54: {  	v9 =	vld [tilespmem:s6+$0x30]  }
0x55: {  	v18 =	vld [tilespmem:s6+$0x20];
	(xrf2) =	vadd.scan.msk.f32 $0xffff, v12  }
0x56: {  	v8 =	vld [tilespmem:s6+$0x10]  }
0x57: {  	v7 =	vld [tilespmem:s6+$0x0]  }
0x58: {  	v5 =	vld [tilespmem:s6+$0xFFFFFFF0]  }
0x59: {  	v4 =	vld [tilespmem:s6+$0xFFFFFFE0];
	vm2 =	vne.s32 v16, v3  }
0x5a: {  	v19 =	vld [tilespmem:s7+$0x20];
	vm2 =	vmor vm2, vm0  }
0x5b: {  	v20 =	vld [tilespmem:s7+$0x30];
	vm3 =	vne.s32 v16, v10  }
0x5c: {  	v21 =	vld [tilespmem:s7+$0x2F];
	vm3 =	vmor vm3, vm1  }
0x5d: {  	v22 =	vld [tilespmem:s7+$0x2E]  }
0x5e: {  	v23 =	vld [tilespmem:s7+$0x10];
	(xrf2) =	vadd.scan.msk.f32 $0xffff, v18  }
0x5f: {  	v63 =	vld [tilespmem:s7+$0x1E];
	v10, _, _ =	vpop (xrf2)  }
0x60: {  	(xrf2) =	vadd.scan.msk.f32 $0xffff, v7;
	[tilespmem:v16+s23+$0x0] =	vst.idx.add.f32.msk vm2, v10;
	v12 =	vsub.f32 v12, v10  }
0x61: {  	(xrf2) =	vadd.scan.msk.f32 $0xffff, v9;
	v10 =	vld [tilespmem:s7+$0xF]  }
0x62: {  	vm2 =	vne.s32 v21, v20;
	[tilespmem:v16+s23+$0x0] =	vst.idx.add.f32.msk vm3, v12  }
0x63: {  	vm4 =	vmor vm2, vm0;
	v16 =	vld [tilespmem:s7+$0xE]  }
0x64: {  	(xrf2) =	vadd.scan.msk.f32 $0xffff, v8;
	vm2 =	vne.s32 v21, v22;
	v12 =	vld [tilespmem:s7+$0x1F]  }
0x65: {  	v3 =	vld [tilespmem:s6+$0xFFFFFFD0];
	vm11 =	vmor vm2, vm1  }
0x66: {  	vm3 =	vne.s32 v1, v11;
	v11 =	vld [tilespmem:s7+$0xFFFFFFFF];
	vm5 =	vne.s32 v10, v23  }
0x67: {  	vm6 =	vne.s32 v6, v14;
	v14 =	vld [tilespmem:s7+$0xFFFFFFF0];
	vm7 =	vne.s32 v6, v15;
	(xrf2) =	vadd.scan.msk.f32 $0xffff, v5;
	vm5 =	vmor vm5, vm0  }
0x68: {  	vm6 =	vmor vm6, vm0;
	vm2 =	vne.s32 v1, v13;
	v13, _, _ =	vpop (xrf2);
	vm8 =	vne.s32 v10, v16;
	v16 =	vld [tilespmem:s7+$0xFFFFFFFE]  }
0x69: {  	vm7 =	vmor vm7, vm1;
	v18 =	vsub.f32 v18, v13;
	vm9 =	vne.s32 v12, v19;
	[tilespmem:v21+s23+$0x0] =	vst.idx.add.f32.msk vm4, v13  }
0x6a: {  	(xrf2) =	vadd.scan.msk.f32 $0xffff, v4;
	v15, _, _ =	vpop (xrf2);
	v13 =	vld [tilespmem:s7+$0xFFFFFFEF];
	vm4 =	vmor vm9, vm0;
	vm9 =	vne.s32 v12, v63  }
0x6b: {  	s8 =	simm.s32 $0xC1;
	s7 =	simm.s32 $0x0;
	vm10 =	vne.s32 v11, v17;
	v17, _, _ =	vpop (xrf2);
	[tilespmem:v21+s23+$0x0] =	vst.idx.add.f32.msk vm11, v18;
	vm9 =	vmor vm9, vm1  }
.LBB2_4:
0x6c: {  	v18 =	vld [tilespmem:s8+$0xFFFFFFDF];
	s7 =	sadd.s32 $0x8, s7;
	vm10 =	vmor vm10, vm0;
	vm8 =	vmor vm8, vm1;
	s6 =	sadd.s32 $0x80, s6  }
0x6d: {  	v9 =	vsub.f32 v9, v17;
	p0 =	slt.u32 s7, $0xF0;
	vm11 =	vne.s32 v11, v16;
	[tilespmem:v10+s23+$0x0] =	vst.idx.add.f32.msk vm5, v15;
	(xrf2) =	vadd.scan.msk.f32 $0xffff, v3  }
0x6e: {  	vm5 =	vmor vm11, vm1;
	[tilespmem:v6+s23+$0x0] =	vst.idx.add.f32.msk vm6, v17;
	v16, _, _ =	vpop (xrf2)  }
0x6f: {  	v7 =	vsub.f32 v7, v15;
	v8 =	vsub.f32 v8, v16;
	[tilespmem:v6+s23+$0x0] =	vst.idx.add.f32.msk vm7, v9  }
0x70: {  	vm6 =	vne.s32 v13, v14;
	vm7 =	vne.s32 v13, v2;
	[tilespmem:v12+s23+$0x0] =	vst.idx.add.f32.msk vm4, v16  }
0x71: {  	vm4 =	vmor vm6, vm0;
	[tilespmem:v12+s23+$0x0] =	vst.idx.add.f32.msk vm9, v8;
	v2, _, _ =	vpop (xrf2)  }
0x72: {  	vm3 =	vmor vm3, vm0;
	[tilespmem:v11+s23+$0x0] =	vst.idx.add.f32.msk vm10, v2;
	v5 =	vsub.f32 v5, v2  }
0x73: {  	vm6 =	vmor vm7, vm1;
	[tilespmem:v10+s23+$0x0] =	vst.idx.add.f32.msk vm8, v7  }
0x74: {  	vm2 =	vmor vm2, vm1;
	[tilespmem:v11+s23+$0x0] =	vst.idx.add.f32.msk vm5, v5;
	v2, _, _ =	vpop (xrf2)  }
0x75: {  	v5 =	vld [tilespmem:s8+$0xFFFFFFE0]  }
0x76: {  	v6 =	vld [tilespmem:s8+$0xFFFFFFDE]  }
0x77: {  	[tilespmem:v13+s23+$0x0] =	vst.idx.add.f32.msk vm4, v2;
	v2 =	vsub.f32 v4, v2;
	v4, _, _ =	vpop (xrf2)  }
0x78: {  	[tilespmem:v1+s23+$0x0] =	vst.idx.add.f32.msk vm3, v4;
	v3 =	vsub.f32 v3, v4  }
0x79: {  	[tilespmem:v13+s23+$0x0] =	vst.idx.add.f32.msk vm6, v2  }
0x7a: {  	vm3 =	vne.s32 v18, v5;
	[tilespmem:v1+s23+$0x0] =	vst.idx.add.f32.msk vm2, v3;
	v1 =	vmov v18  }
0x7b: {  	vm2 =	vne.s32 v1, v6;
	v2 =	vld [tilespmem:s8+$0xFFFFFFEE]  }
0x7c: {  	v17 =	vld [tilespmem:s8+$0x0]  }
0x7d: {  	v3 =	vld [tilespmem:s8+$0x40]  }
0x7e: {  	v4 =	vld [tilespmem:s8+$0x3E]  }
0x7f: {  	v5 =	vld [tilespmem:s8+$0xFFFFFFCE]  }
0x80: {  	v7 =	vld [tilespmem:s8+$0xFFFFFFD0]  }
0x81: {  	v11 =	vld [tilespmem:s8+$0xFFFFFFCF]  }
0x82: {  	v12 =	vld [tilespmem:s6+$0xFFFFFFC0]  }
0x83: {  	v6 =	vld [tilespmem:s8+$0x3F]  }
0x84: {  	v9 =	vld [tilespmem:s6+$0x30]  }
0x85: {  	v13 =	vld [tilespmem:s6+$0x20]  }
0x86: {  	vm5 =	vne.s32 v11, v7;
	vm7 =	vne.s32 v11, v5;
	v8 =	vld [tilespmem:s6+$0x10]  }
0x87: {  	v7 =	vld [tilespmem:s6+$0x0];
	(xrf2) =	vadd.scan.msk.f32 $0xffff, v12  }
0x88: {  	v5 =	vld [tilespmem:s6+$0xFFFFFFF0];
	vm6 =	vne.s32 v6, v3;
	vm4 =	vne.s32 v6, v4  }
0x89: {  	v4 =	vld [tilespmem:s6+$0xFFFFFFE0]  }
0x8a: {  	v3 =	vld [tilespmem:s6+$0xFFFFFFD0]  }
0x8b: {  	v15 =	vld [tilespmem:s8+$0x20];
	(xrf2) =	vadd.scan.msk.f32 $0xffff, v13  }
0x8c: {  	vm5 =	vmor vm5, vm0;
	v14 =	vld [tilespmem:s8+$0x30]  }
0x8d: {  	v18 =	vld [tilespmem:s8+$0x2F]  }
0x8e: {  	vm7 =	vmor vm7, vm1;
	v16 =	vld [tilespmem:s8+$0xE];
	(xrf2) =	vadd.scan.msk.f32 $0xffff, v7  }
0x8f: {  	v19 =	vld [tilespmem:s8+$0x2E]  }
0x90: {  	v20 =	vld [tilespmem:s8+$0x10]  }
0x91: {  	v10 =	vld [tilespmem:s8+$0xF];
	v21, _, _ =	vpop (xrf2);
	(xrf2) =	vadd.scan.msk.f32 $0xffff, v9  }
0x92: {  	[tilespmem:v11+s23+$0x0] =	vst.idx.add.f32.msk vm5, v21;
	v22 =	vsub.f32 v12, v21;
	vm5 =	vne.s32 v18, v14  }
0x93: {  	v12 =	vld [tilespmem:s8+$0x1F];
	vm9 =	vmor vm5, vm0  }
0x94: {  	[tilespmem:v11+s23+$0x0] =	vst.idx.add.f32.msk vm7, v22;
	vm5 =	vne.s32 v18, v19;
	(xrf2) =	vadd.scan.msk.f32 $0xffff, v8  }
0x95: {  	v19 =	vld [tilespmem:s8+$0x1E];
	vm11 =	vmor vm5, vm1;
	v21, _, _ =	vpop (xrf2)  }
0x96: {  	v11 =	vld [tilespmem:s8+$0xFFFFFFFF];
	vm5 =	vne.s32 v10, v20;
	vm8 =	vne.s32 v10, v16  }
.Ltmp1:
0x97: {  	v14 =	vld [tilespmem:s8+$0xFFFFFFF0];
	vm5 =	vmor vm5, vm0;
	(xrf2) =	vadd.scan.msk.f32 $0xffff, v5;
	(pc) =	sbr.rel @p0 .LBB2_4-.Ltmp1, $4  }
0x98: {  	vm6 =	vmor vm6, vm0;
	v16 =	vld [tilespmem:s8+$0xFFFFFFFE];
	vm10 =	vne.s32 v12, v15;
	v15, _, _ =	vpop (xrf2)  }
0x99: {  	vm7 =	vmor vm4, vm1;
	v20 =	vsub.f32 v13, v21;
	[tilespmem:v18+s23+$0x0] =	vst.idx.add.f32.msk vm9, v21  }
0x9a: {  	vm4 =	vmor vm10, vm0;
	v13 =	vld [tilespmem:s8+$0xFFFFFFEF];
	vm9 =	vne.s32 v12, v19;
	(xrf2) =	vadd.scan.msk.f32 $0xffff, v4  }
0x9b: {  	s8 =	sadd.s32 $0x80, s8;
	vm10 =	vne.s32 v11, v17;
	vm9 =	vmor vm9, vm1;
	[tilespmem:v18+s23+$0x0] =	vst.idx.add.f32.msk vm11, v20;
	v17, _, _ =	vpop (xrf2)  }
0x9c: {  	_ =	sdelay $0x2  }
0x9d: {  	(xrf2) =	vadd.scan.msk.f32 $0xffff, v3  }
0x9e: {  	vm10 =	vmor vm10, vm0  }
0x9f: {  	vm8 =	vmor vm8, vm1;
	[tilespmem:v10+s23+$0x0] =	vst.idx.add.f32.msk vm5, v15;
	v9 =	vsub.f32 v9, v17;
	vm11 =	vne.s32 v11, v16  }
0xa0: {  	[tilespmem:v6+s23+$0x0] =	vst.idx.add.f32.msk vm6, v17;
	vm12 =	vmor vm11, vm1;
	v61, _, _ =	vpop (xrf2);
	vm13 =	vne.s32 v13, v14  }
0xa1: {  	[tilespmem:v6+s23+$0x0] =	vst.idx.add.f32.msk vm7, v9;
	v8 =	vsub.f32 v8, v61;
	vm6 =	vmor vm13, vm0  }
0xa2: {  	vm3 =	vmor vm3, vm0;
	vm14 =	vne.s32 v13, v2;
	[tilespmem:v12+s23+$0x0] =	vst.idx.add.f32.msk vm4, v61;
	v2 =	vsub.f32 v7, v15  }
0xa3: {  	vm15 =	vmor vm14, vm1;
	[tilespmem:v12+s23+$0x0] =	vst.idx.add.f32.msk vm9, v8;
	v62, _, _ =	vpop (xrf2)  }
0xa4: {  	vm2 =	vmor vm2, vm1;
	[tilespmem:v11+s23+$0x0] =	vst.idx.add.f32.msk vm10, v62;
	v5 =	vsub.f32 v5, v62  }
0xa5: {  	[tilespmem:v10+s23+$0x0] =	vst.idx.add.f32.msk vm8, v2  }
0xa6: {  	[tilespmem:v11+s23+$0x0] =	vst.idx.add.f32.msk vm12, v5;
	v2, _, _ =	vpop (xrf2)  }
0xa7: {  	[tilespmem:v13+s23+$0x0] =	vst.idx.add.f32.msk vm6, v2;
	v2 =	vsub.f32 v4, v2;
	v63, _, _ =	vpop (xrf2)  }
0xa8: {  	[tilespmem:v1+s23+$0x0] =	vst.idx.add.f32.msk vm3, v63;
	v3 =	vsub.f32 v3, v63  }
0xa9: {  	[tilespmem:v13+s23+$0x0] =	vst.idx.add.f32.msk vm15, v2  }
0xaa: {  	s6 =	simm.s32 $0x0;
	[tilespmem:v1+s23+$0x0] =	vst.idx.add.f32.msk vm2, v3  }
.LBB2_6:
0xab: {  	s7 =	sshra.s32 s6, $0x2  }
0xac: {  	v1 =	vld [tilespmem:s7+$0x5E00];
	_ =	sdelay $0x3  }
0xad: {  	v2 =	vld [tilespmem:s7+$0xF90]  }
0xae: {  	v3 =	vld [tilespmem:s7+$0xF91];
	(xrf2) =	vadd.scan.msk.f32 $0xffff, v1  }
0xaf: {  	v4 =	vld [tilespmem:s7+$0xF8F];
	_ =	sdelay $0x3  }
0xb0: {  	vm2 =	vne.s32 v2, v3  }
0xb1: {  	vm3 =	vne.s32 v2, v4;
	vm2 =	vmor vm2, vm0  }
0xb2: {  	vm3 =	vmor vm3, vm1  }
0xb3: {  	p0 =	sne.s32 s6, $0x40  }
.Ltmp2:
0xb4: {  	_ = 	snop;
	(pc) =	sbr.rel @p0 .LBB2_6-.Ltmp2, $4  }
0xb5: {  	v3, _, _ =	vpop (xrf2)  }
0xb6: {  	v1 =	vsub.f32 v1, v3  }
0xb7: {  	[tilespmem:v2+s23+$0x0] =	vst.idx.add.f32.msk vm2, v3  }
0xb8: {  	s6 =	sadd.s32 $0x40, s6;
	[tilespmem:v2+s23+$0x0] =	vst.idx.add.f32.msk vm3, v1  }
0xb9: {  	_ =	swait.ge [sflag:s24], $0xFA0  }
0xba: {  	[sflag:s24] =	ssyncset.done $0x0  }
0xbb: {  	[sflag:s24] =	ssyncadd.s32 $0xFFFFF060  }
0xbc: {  	_ =	swait.ge [sflag:s25], $0xFA0  }
0xbd: {  	[sflag:s25] =	ssyncset.done $0x0  }
0xbe: {  	s7 =	simm.s32 $0x1021;
	[sflag:s25] =	ssyncadd.s32 $0xFFFFF060  }
0xbf: {  	v1 =	vld [tilespmem:s7+$0xFFFFFF9F]  }
0xc0: {  	v11 =	vld [tilespmem:s7+$0xFFFFFFA0]  }
0xc1: {  	v13 =	vld [tilespmem:s7+$0xFFFFFF9E]  }
0xc2: {  	v2 =	vld [tilespmem:s7+$0xFFFFFFAE]  }
0xc3: {  	v17 =	vld [tilespmem:s7+$0xFFFFFFC0]  }
0xc4: {  	v14 =	vld [tilespmem:s7+$0x0]  }
0xc5: {  	v15 =	vld [tilespmem:s7+$0xFFFFFFFE]  }
0xc6: {  	s6 =	simm.s32 $0x5E90;
	v10 =	vld [tilespmem:s7+$0xFFFFFF8E]  }
0xc7: {  	v12 =	vld [tilespmem:s6+$0xFFFFFF90]  }
0xc8: {  	v3 =	vld [tilespmem:s7+$0xFFFFFF90]  }
0xc9: {  	v16 =	vld [tilespmem:s7+$0xFFFFFF8F]  }
0xca: {  	v6 =	vld [tilespmem:s7+$0xFFFFFFFF]  }
0xcb: {  	v9 =	vld [tilespmem:s6+$0x0]  }
0xcc: {  	v18 =	vld [tilespmem:s6+$0xFFFFFFF0];
	(xrf2) =	vadd.scan.msk.f32 $0xffff, v12  }
0xcd: {  	v8 =	vld [tilespmem:s6+$0xFFFFFFE0]  }
0xce: {  	v7 =	vld [tilespmem:s6+$0xFFFFFFD0]  }
0xcf: {  	v5 =	vld [tilespmem:s6+$0xFFFFFFC0]  }
0xd0: {  	v4 =	vld [tilespmem:s6+$0xFFFFFFB0];
	vm2 =	vne.s32 v16, v3  }
0xd1: {  	v19 =	vld [tilespmem:s7+$0xFFFFFFE0];
	vm2 =	vmor vm2, vm0  }
0xd2: {  	v20 =	vld [tilespmem:s7+$0xFFFFFFF0];
	vm3 =	vne.s32 v16, v10  }
0xd3: {  	v21 =	vld [tilespmem:s7+$0xFFFFFFEF];
	vm3 =	vmor vm3, vm1  }
0xd4: {  	v22 =	vld [tilespmem:s7+$0xFFFFFFEE]  }
0xd5: {  	v23 =	vld [tilespmem:s7+$0xFFFFFFD0];
	(xrf2) =	vadd.scan.msk.f32 $0xffff, v18  }
0xd6: {  	v63 =	vld [tilespmem:s7+$0xFFFFFFDE];
	v10, _, _ =	vpop (xrf2)  }
0xd7: {  	(xrf2) =	vadd.scan.msk.f32 $0xffff, v7;
	[tilespmem:v16+s23+$0x0] =	vst.idx.add.f32.msk vm2, v10;
	v12 =	vsub.f32 v12, v10  }
0xd8: {  	(xrf2) =	vadd.scan.msk.f32 $0xffff, v9;
	v10 =	vld [tilespmem:s7+$0xFFFFFFCF]  }
0xd9: {  	vm2 =	vne.s32 v21, v20;
	[tilespmem:v16+s23+$0x0] =	vst.idx.add.f32.msk vm3, v12  }
0xda: {  	vm4 =	vmor vm2, vm0;
	v16 =	vld [tilespmem:s7+$0xFFFFFFCE]  }
0xdb: {  	(xrf2) =	vadd.scan.msk.f32 $0xffff, v8;
	vm2 =	vne.s32 v21, v22;
	v12 =	vld [tilespmem:s7+$0xFFFFFFDF]  }
0xdc: {  	v3 =	vld [tilespmem:s6+$0xFFFFFFA0];
	vm11 =	vmor vm2, vm1  }
0xdd: {  	vm3 =	vne.s32 v1, v11;
	v11 =	vld [tilespmem:s7+$0xFFFFFFBF];
	vm5 =	vne.s32 v10, v23  }
0xde: {  	vm6 =	vne.s32 v6, v14;
	v14 =	vld [tilespmem:s7+$0xFFFFFFB0];
	vm7 =	vne.s32 v6, v15;
	(xrf2) =	vadd.scan.msk.f32 $0xffff, v5;
	vm5 =	vmor vm5, vm0  }
0xdf: {  	vm6 =	vmor vm6, vm0;
	vm2 =	vne.s32 v1, v13;
	v13, _, _ =	vpop (xrf2);
	vm8 =	vne.s32 v10, v16;
	v16 =	vld [tilespmem:s7+$0xFFFFFFBE]  }
0xe0: {  	vm7 =	vmor vm7, vm1;
	v18 =	vsub.f32 v18, v13;
	vm9 =	vne.s32 v12, v19;
	[tilespmem:v21+s23+$0x0] =	vst.idx.add.f32.msk vm4, v13  }
0xe1: {  	(xrf2) =	vadd.scan.msk.f32 $0xffff, v4;
	v15, _, _ =	vpop (xrf2);
	v13 =	vld [tilespmem:s7+$0xFFFFFFAF];
	vm4 =	vmor vm9, vm0;
	vm9 =	vne.s32 v12, v63  }
0xe2: {  	s8 =	simm.s32 $0x10A1;
	s7 =	simm.s32 $0xFA;
	vm10 =	vne.s32 v11, v17;
	v17, _, _ =	vpop (xrf2);
	[tilespmem:v21+s23+$0x0] =	vst.idx.add.f32.msk vm11, v18;
	vm9 =	vmor vm9, vm1  }
.LBB2_8:
0xe3: {  	v18 =	vld [tilespmem:s8+$0xFFFFFF9F];
	s7 =	sadd.s32 $0x8, s7;
	vm10 =	vmor vm10, vm0;
	vm8 =	vmor vm8, vm1;
	s6 =	sadd.s32 $0x80, s6  }
0xe4: {  	v9 =	vsub.f32 v9, v17;
	p0 =	slt.u32 s7, $0x1EA;
	vm11 =	vne.s32 v11, v16;
	[tilespmem:v10+s23+$0x0] =	vst.idx.add.f32.msk vm5, v15;
	(xrf2) =	vadd.scan.msk.f32 $0xffff, v3  }
0xe5: {  	vm5 =	vmor vm11, vm1;
	[tilespmem:v6+s23+$0x0] =	vst.idx.add.f32.msk vm6, v17;
	v16, _, _ =	vpop (xrf2)  }
0xe6: {  	v7 =	vsub.f32 v7, v15;
	v8 =	vsub.f32 v8, v16;
	[tilespmem:v6+s23+$0x0] =	vst.idx.add.f32.msk vm7, v9  }
0xe7: {  	vm6 =	vne.s32 v13, v14;
	vm7 =	vne.s32 v13, v2;
	[tilespmem:v12+s23+$0x0] =	vst.idx.add.f32.msk vm4, v16  }
0xe8: {  	vm4 =	vmor vm6, vm0;
	[tilespmem:v12+s23+$0x0] =	vst.idx.add.f32.msk vm9, v8;
	v2, _, _ =	vpop (xrf2)  }
0xe9: {  	vm3 =	vmor vm3, vm0;
	[tilespmem:v11+s23+$0x0] =	vst.idx.add.f32.msk vm10, v2;
	v5 =	vsub.f32 v5, v2  }
0xea: {  	vm6 =	vmor vm7, vm1;
	[tilespmem:v10+s23+$0x0] =	vst.idx.add.f32.msk vm8, v7  }
0xeb: {  	vm2 =	vmor vm2, vm1;
	[tilespmem:v11+s23+$0x0] =	vst.idx.add.f32.msk vm5, v5;
	v2, _, _ =	vpop (xrf2)  }
0xec: {  	v5 =	vld [tilespmem:s8+$0xFFFFFFA0]  }
0xed: {  	v6 =	vld [tilespmem:s8+$0xFFFFFF9E]  }
0xee: {  	[tilespmem:v13+s23+$0x0] =	vst.idx.add.f32.msk vm4, v2;
	v2 =	vsub.f32 v4, v2;
	v4, _, _ =	vpop (xrf2)  }
0xef: {  	[tilespmem:v1+s23+$0x0] =	vst.idx.add.f32.msk vm3, v4;
	v3 =	vsub.f32 v3, v4  }
0xf0: {  	[tilespmem:v13+s23+$0x0] =	vst.idx.add.f32.msk vm6, v2  }
0xf1: {  	vm3 =	vne.s32 v18, v5;
	[tilespmem:v1+s23+$0x0] =	vst.idx.add.f32.msk vm2, v3;
	v1 =	vmov v18  }
0xf2: {  	vm2 =	vne.s32 v1, v6;
	v2 =	vld [tilespmem:s8+$0xFFFFFFAE]  }
0xf3: {  	v17 =	vld [tilespmem:s8+$0xFFFFFFC0]  }
0xf4: {  	v3 =	vld [tilespmem:s8+$0x0]  }
0xf5: {  	v4 =	vld [tilespmem:s8+$0xFFFFFFFE]  }
0xf6: {  	v5 =	vld [tilespmem:s8+$0xFFFFFF8E]  }
0xf7: {  	v7 =	vld [tilespmem:s8+$0xFFFFFF90]  }
0xf8: {  	v11 =	vld [tilespmem:s8+$0xFFFFFF8F]  }
0xf9: {  	v12 =	vld [tilespmem:s6+$0xFFFFFF90]  }
0xfa: {  	v6 =	vld [tilespmem:s8+$0xFFFFFFFF]  }
0xfb: {  	v9 =	vld [tilespmem:s6+$0x0]  }
0xfc: {  	v13 =	vld [tilespmem:s6+$0xFFFFFFF0]  }
0xfd: {  	vm5 =	vne.s32 v11, v7;
	vm7 =	vne.s32 v11, v5;
	v8 =	vld [tilespmem:s6+$0xFFFFFFE0]  }
0xfe: {  	v7 =	vld [tilespmem:s6+$0xFFFFFFD0];
	(xrf2) =	vadd.scan.msk.f32 $0xffff, v12  }
0xff: {  	v5 =	vld [tilespmem:s6+$0xFFFFFFC0];
	vm6 =	vne.s32 v6, v3;
	vm4 =	vne.s32 v6, v4  }
0x100: {  	v4 =	vld [tilespmem:s6+$0xFFFFFFB0]  }
0x101: {  	v3 =	vld [tilespmem:s6+$0xFFFFFFA0]  }
0x102: {  	v15 =	vld [tilespmem:s8+$0xFFFFFFE0];
	(xrf2) =	vadd.scan.msk.f32 $0xffff, v13  }
0x103: {  	vm5 =	vmor vm5, vm0;
	v14 =	vld [tilespmem:s8+$0xFFFFFFF0]  }
0x104: {  	v18 =	vld [tilespmem:s8+$0xFFFFFFEF]  }
0x105: {  	vm7 =	vmor vm7, vm1;
	v16 =	vld [tilespmem:s8+$0xFFFFFFCE];
	(xrf2) =	vadd.scan.msk.f32 $0xffff, v7  }
0x106: {  	v19 =	vld [tilespmem:s8+$0xFFFFFFEE]  }
0x107: {  	v20 =	vld [tilespmem:s8+$0xFFFFFFD0]  }
0x108: {  	v10 =	vld [tilespmem:s8+$0xFFFFFFCF];
	v21, _, _ =	vpop (xrf2);
	(xrf2) =	vadd.scan.msk.f32 $0xffff, v9  }
0x109: {  	[tilespmem:v11+s23+$0x0] =	vst.idx.add.f32.msk vm5, v21;
	v22 =	vsub.f32 v12, v21;
	vm5 =	vne.s32 v18, v14  }
0x10a: {  	v12 =	vld [tilespmem:s8+$0xFFFFFFDF];
	vm9 =	vmor vm5, vm0  }
0x10b: {  	[tilespmem:v11+s23+$0x0] =	vst.idx.add.f32.msk vm7, v22;
	vm5 =	vne.s32 v18, v19;
	(xrf2) =	vadd.scan.msk.f32 $0xffff, v8  }
0x10c: {  	v19 =	vld [tilespmem:s8+$0xFFFFFFDE];
	vm11 =	vmor vm5, vm1;
	v21, _, _ =	vpop (xrf2)  }
0x10d: {  	v11 =	vld [tilespmem:s8+$0xFFFFFFBF];
	vm5 =	vne.s32 v10, v20;
	vm8 =	vne.s32 v10, v16  }
.Ltmp3:
0x10e: {  	v14 =	vld [tilespmem:s8+$0xFFFFFFB0];
	vm5 =	vmor vm5, vm0;
	(xrf2) =	vadd.scan.msk.f32 $0xffff, v5;
	(pc) =	sbr.rel @p0 .LBB2_8-.Ltmp3, $4  }
0x10f: {  	vm6 =	vmor vm6, vm0;
	v16 =	vld [tilespmem:s8+$0xFFFFFFBE];
	vm10 =	vne.s32 v12, v15;
	v15, _, _ =	vpop (xrf2)  }
0x110: {  	vm7 =	vmor vm4, vm1;
	v20 =	vsub.f32 v13, v21;
	[tilespmem:v18+s23+$0x0] =	vst.idx.add.f32.msk vm9, v21  }
0x111: {  	vm4 =	vmor vm10, vm0;
	v13 =	vld [tilespmem:s8+$0xFFFFFFAF];
	vm9 =	vne.s32 v12, v19;
	(xrf2) =	vadd.scan.msk.f32 $0xffff, v4  }
0x112: {  	s8 =	sadd.s32 $0x80, s8;
	vm10 =	vne.s32 v11, v17;
	vm9 =	vmor vm9, vm1;
	[tilespmem:v18+s23+$0x0] =	vst.idx.add.f32.msk vm11, v20;
	v17, _, _ =	vpop (xrf2)  }
0x113: {  	_ =	sdelay $0x2  }
0x114: {  	(xrf2) =	vadd.scan.msk.f32 $0xffff, v3  }
0x115: {  	vm10 =	vmor vm10, vm0  }
0x116: {  	vm8 =	vmor vm8, vm1;
	[tilespmem:v10+s23+$0x0] =	vst.idx.add.f32.msk vm5, v15;
	v9 =	vsub.f32 v9, v17;
	vm11 =	vne.s32 v11, v16  }
0x117: {  	[tilespmem:v6+s23+$0x0] =	vst.idx.add.f32.msk vm6, v17;
	vm12 =	vmor vm11, vm1;
	v61, _, _ =	vpop (xrf2);
	vm13 =	vne.s32 v13, v14  }
0x118: {  	[tilespmem:v6+s23+$0x0] =	vst.idx.add.f32.msk vm7, v9;
	v8 =	vsub.f32 v8, v61;
	vm6 =	vmor vm13, vm0  }
0x119: {  	vm3 =	vmor vm3, vm0;
	vm14 =	vne.s32 v13, v2;
	[tilespmem:v12+s23+$0x0] =	vst.idx.add.f32.msk vm4, v61;
	v2 =	vsub.f32 v7, v15  }
0x11a: {  	vm15 =	vmor vm14, vm1;
	[tilespmem:v12+s23+$0x0] =	vst.idx.add.f32.msk vm9, v8;
	v62, _, _ =	vpop (xrf2)  }
0x11b: {  	vm2 =	vmor vm2, vm1;
	[tilespmem:v11+s23+$0x0] =	vst.idx.add.f32.msk vm10, v62;
	v5 =	vsub.f32 v5, v62  }
0x11c: {  	[tilespmem:v10+s23+$0x0] =	vst.idx.add.f32.msk vm8, v2  }
0x11d: {  	[tilespmem:v11+s23+$0x0] =	vst.idx.add.f32.msk vm12, v5;
	v2, _, _ =	vpop (xrf2)  }
0x11e: {  	[tilespmem:v13+s23+$0x0] =	vst.idx.add.f32.msk vm6, v2;
	v2 =	vsub.f32 v4, v2;
	v63, _, _ =	vpop (xrf2)  }
0x11f: {  	[tilespmem:v1+s23+$0x0] =	vst.idx.add.f32.msk vm3, v63;
	v3 =	vsub.f32 v3, v63  }
0x120: {  	[tilespmem:v13+s23+$0x0] =	vst.idx.add.f32.msk vm15, v2  }
0x121: {  	s6 =	simm.s32 $0x0;
	[tilespmem:v1+s23+$0x0] =	vst.idx.add.f32.msk vm2, v3  }
.LBB2_10:
0x122: {  	s7 =	sshra.s32 s6, $0x2  }
0x123: {  	v1 =	vld [tilespmem:s7+$0x6DA0];
	_ =	sdelay $0x3  }
0x124: {  	v2 =	vld [tilespmem:s7+$0x1F30]  }
0x125: {  	v3 =	vld [tilespmem:s7+$0x1F31];
	(xrf2) =	vadd.scan.msk.f32 $0xffff, v1  }
0x126: {  	v4 =	vld [tilespmem:s7+$0x1F2F];
	_ =	sdelay $0x3  }
0x127: {  	vm2 =	vne.s32 v2, v3  }
0x128: {  	vm3 =	vne.s32 v2, v4;
	vm2 =	vmor vm2, vm0  }
0x129: {  	vm3 =	vmor vm3, vm1  }
0x12a: {  	p0 =	sne.s32 s6, $0x40  }
.Ltmp4:
0x12b: {  	_ = 	snop;
	(pc) =	sbr.rel @p0 .LBB2_10-.Ltmp4, $4  }
0x12c: {  	v3, _, _ =	vpop (xrf2)  }
0x12d: {  	v1 =	vsub.f32 v1, v3  }
0x12e: {  	[tilespmem:v2+s23+$0x0] =	vst.idx.add.f32.msk vm2, v3  }
0x12f: {  	s6 =	sadd.s32 $0x40, s6;
	[tilespmem:v2+s23+$0x0] =	vst.idx.add.f32.msk vm3, v1  }
0x130: {  	_ =	swait.ge [sflag:s26], $0xFA0  }
0x131: {  	[sflag:s26] =	ssyncset.done $0x0  }
0x132: {  	[sflag:s26] =	ssyncadd.s32 $0xFFFFF060  }
0x133: {  	_ =	swait.ge [sflag:s28], $0xFA0  }
0x134: {  	[sflag:s28] =	ssyncset.done $0x0  }
0x135: {  	s7 =	simm.s32 $0x1FC1;
	[sflag:s28] =	ssyncadd.s32 $0xFFFFF060  }
0x136: {  	v1 =	vld [tilespmem:s7+$0xFFFFFF9F]  }
0x137: {  	v11 =	vld [tilespmem:s7+$0xFFFFFFA0]  }
0x138: {  	v13 =	vld [tilespmem:s7+$0xFFFFFF9E]  }
0x139: {  	v2 =	vld [tilespmem:s7+$0xFFFFFFAE]  }
0x13a: {  	v17 =	vld [tilespmem:s7+$0xFFFFFFC0]  }
0x13b: {  	v14 =	vld [tilespmem:s7+$0x0]  }
0x13c: {  	v15 =	vld [tilespmem:s7+$0xFFFFFFFE]  }
0x13d: {  	s6 =	simm.s32 $0x6E30;
	v10 =	vld [tilespmem:s7+$0xFFFFFF8E]  }
0x13e: {  	v12 =	vld [tilespmem:s6+$0xFFFFFF90]  }
0x13f: {  	v3 =	vld [tilespmem:s7+$0xFFFFFF90]  }
0x140: {  	v16 =	vld [tilespmem:s7+$0xFFFFFF8F]  }
0x141: {  	v6 =	vld [tilespmem:s7+$0xFFFFFFFF]  }
0x142: {  	v9 =	vld [tilespmem:s6+$0x0]  }
0x143: {  	v18 =	vld [tilespmem:s6+$0xFFFFFFF0];
	(xrf2) =	vadd.scan.msk.f32 $0xffff, v12  }
0x144: {  	v8 =	vld [tilespmem:s6+$0xFFFFFFE0]  }
0x145: {  	v7 =	vld [tilespmem:s6+$0xFFFFFFD0]  }
0x146: {  	v5 =	vld [tilespmem:s6+$0xFFFFFFC0]  }
0x147: {  	v4 =	vld [tilespmem:s6+$0xFFFFFFB0];
	vm2 =	vne.s32 v16, v3  }
0x148: {  	v19 =	vld [tilespmem:s7+$0xFFFFFFE0];
	vm2 =	vmor vm2, vm0  }
0x149: {  	v20 =	vld [tilespmem:s7+$0xFFFFFFF0];
	vm3 =	vne.s32 v16, v10  }
0x14a: {  	v21 =	vld [tilespmem:s7+$0xFFFFFFEF];
	vm3 =	vmor vm3, vm1  }
0x14b: {  	v22 =	vld [tilespmem:s7+$0xFFFFFFEE]  }
0x14c: {  	v23 =	vld [tilespmem:s7+$0xFFFFFFD0];
	(xrf2) =	vadd.scan.msk.f32 $0xffff, v18  }
0x14d: {  	v63 =	vld [tilespmem:s7+$0xFFFFFFDE];
	v10, _, _ =	vpop (xrf2)  }
0x14e: {  	(xrf2) =	vadd.scan.msk.f32 $0xffff, v7;
	[tilespmem:v16+s23+$0x0] =	vst.idx.add.f32.msk vm2, v10;
	v12 =	vsub.f32 v12, v10  }
0x14f: {  	(xrf2) =	vadd.scan.msk.f32 $0xffff, v9;
	v10 =	vld [tilespmem:s7+$0xFFFFFFCF]  }
0x150: {  	vm2 =	vne.s32 v21, v20;
	[tilespmem:v16+s23+$0x0] =	vst.idx.add.f32.msk vm3, v12  }
0x151: {  	vm4 =	vmor vm2, vm0;
	v16 =	vld [tilespmem:s7+$0xFFFFFFCE]  }
0x152: {  	(xrf2) =	vadd.scan.msk.f32 $0xffff, v8;
	vm2 =	vne.s32 v21, v22;
	v12 =	vld [tilespmem:s7+$0xFFFFFFDF]  }
0x153: {  	v3 =	vld [tilespmem:s6+$0xFFFFFFA0];
	vm11 =	vmor vm2, vm1  }
0x154: {  	vm3 =	vne.s32 v1, v11;
	v11 =	vld [tilespmem:s7+$0xFFFFFFBF];
	vm5 =	vne.s32 v10, v23  }
0x155: {  	vm6 =	vne.s32 v6, v14;
	v14 =	vld [tilespmem:s7+$0xFFFFFFB0];
	vm7 =	vne.s32 v6, v15;
	(xrf2) =	vadd.scan.msk.f32 $0xffff, v5;
	vm5 =	vmor vm5, vm0  }
0x156: {  	vm6 =	vmor vm6, vm0;
	vm2 =	vne.s32 v1, v13;
	v13, _, _ =	vpop (xrf2);
	vm8 =	vne.s32 v10, v16;
	v16 =	vld [tilespmem:s7+$0xFFFFFFBE]  }
0x157: {  	vm7 =	vmor vm7, vm1;
	v18 =	vsub.f32 v18, v13;
	vm9 =	vne.s32 v12, v19;
	[tilespmem:v21+s23+$0x0] =	vst.idx.add.f32.msk vm4, v13  }
0x158: {  	(xrf2) =	vadd.scan.msk.f32 $0xffff, v4;
	v15, _, _ =	vpop (xrf2);
	v13 =	vld [tilespmem:s7+$0xFFFFFFAF];
	vm4 =	vmor vm9, vm0;
	vm9 =	vne.s32 v12, v63  }
0x159: {  	s8 =	simm.s32 $0x2041;
	s7 =	simm.s32 $0x1F4;
	vm10 =	vne.s32 v11, v17;
	v17, _, _ =	vpop (xrf2);
	[tilespmem:v21+s23+$0x0] =	vst.idx.add.f32.msk vm11, v18;
	vm9 =	vmor vm9, vm1  }
.LBB2_12:
0x15a: {  	v18 =	vld [tilespmem:s8+$0xFFFFFF9F];
	s7 =	sadd.s32 $0x8, s7;
	vm10 =	vmor vm10, vm0;
	vm8 =	vmor vm8, vm1;
	s6 =	sadd.s32 $0x80, s6  }
0x15b: {  	v9 =	vsub.f32 v9, v17;
	p0 =	slt.u32 s7, $0x2E4;
	vm11 =	vne.s32 v11, v16;
	[tilespmem:v10+s23+$0x0] =	vst.idx.add.f32.msk vm5, v15;
	(xrf2) =	vadd.scan.msk.f32 $0xffff, v3  }
0x15c: {  	vm5 =	vmor vm11, vm1;
	[tilespmem:v6+s23+$0x0] =	vst.idx.add.f32.msk vm6, v17;
	v16, _, _ =	vpop (xrf2)  }
0x15d: {  	v7 =	vsub.f32 v7, v15;
	v8 =	vsub.f32 v8, v16;
	[tilespmem:v6+s23+$0x0] =	vst.idx.add.f32.msk vm7, v9  }
0x15e: {  	vm6 =	vne.s32 v13, v14;
	vm7 =	vne.s32 v13, v2;
	[tilespmem:v12+s23+$0x0] =	vst.idx.add.f32.msk vm4, v16  }
0x15f: {  	vm4 =	vmor vm6, vm0;
	[tilespmem:v12+s23+$0x0] =	vst.idx.add.f32.msk vm9, v8;
	v2, _, _ =	vpop (xrf2)  }
0x160: {  	vm3 =	vmor vm3, vm0;
	[tilespmem:v11+s23+$0x0] =	vst.idx.add.f32.msk vm10, v2;
	v5 =	vsub.f32 v5, v2  }
0x161: {  	vm6 =	vmor vm7, vm1;
	[tilespmem:v10+s23+$0x0] =	vst.idx.add.f32.msk vm8, v7  }
0x162: {  	vm2 =	vmor vm2, vm1;
	[tilespmem:v11+s23+$0x0] =	vst.idx.add.f32.msk vm5, v5;
	v2, _, _ =	vpop (xrf2)  }
0x163: {  	v5 =	vld [tilespmem:s8+$0xFFFFFFA0]  }
0x164: {  	v6 =	vld [tilespmem:s8+$0xFFFFFF9E]  }
0x165: {  	[tilespmem:v13+s23+$0x0] =	vst.idx.add.f32.msk vm4, v2;
	v2 =	vsub.f32 v4, v2;
	v4, _, _ =	vpop (xrf2)  }
0x166: {  	[tilespmem:v1+s23+$0x0] =	vst.idx.add.f32.msk vm3, v4;
	v3 =	vsub.f32 v3, v4  }
0x167: {  	[tilespmem:v13+s23+$0x0] =	vst.idx.add.f32.msk vm6, v2  }
0x168: {  	vm3 =	vne.s32 v18, v5;
	[tilespmem:v1+s23+$0x0] =	vst.idx.add.f32.msk vm2, v3;
	v1 =	vmov v18  }
0x169: {  	vm2 =	vne.s32 v1, v6;
	v2 =	vld [tilespmem:s8+$0xFFFFFFAE]  }
0x16a: {  	v17 =	vld [tilespmem:s8+$0xFFFFFFC0]  }
0x16b: {  	v3 =	vld [tilespmem:s8+$0x0]  }
0x16c: {  	v4 =	vld [tilespmem:s8+$0xFFFFFFFE]  }
0x16d: {  	v5 =	vld [tilespmem:s8+$0xFFFFFF8E]  }
0x16e: {  	v7 =	vld [tilespmem:s8+$0xFFFFFF90]  }
0x16f: {  	v11 =	vld [tilespmem:s8+$0xFFFFFF8F]  }
0x170: {  	v12 =	vld [tilespmem:s6+$0xFFFFFF90]  }
0x171: {  	v6 =	vld [tilespmem:s8+$0xFFFFFFFF]  }
0x172: {  	v9 =	vld [tilespmem:s6+$0x0]  }
0x173: {  	v13 =	vld [tilespmem:s6+$0xFFFFFFF0]  }
0x174: {  	vm5 =	vne.s32 v11, v7;
	vm7 =	vne.s32 v11, v5;
	v8 =	vld [tilespmem:s6+$0xFFFFFFE0]  }
0x175: {  	v7 =	vld [tilespmem:s6+$0xFFFFFFD0];
	(xrf2) =	vadd.scan.msk.f32 $0xffff, v12  }
0x176: {  	v5 =	vld [tilespmem:s6+$0xFFFFFFC0];
	vm6 =	vne.s32 v6, v3;
	vm4 =	vne.s32 v6, v4  }
0x177: {  	v4 =	vld [tilespmem:s6+$0xFFFFFFB0]  }
0x178: {  	v3 =	vld [tilespmem:s6+$0xFFFFFFA0]  }
0x179: {  	v15 =	vld [tilespmem:s8+$0xFFFFFFE0];
	(xrf2) =	vadd.scan.msk.f32 $0xffff, v13  }
0x17a: {  	vm5 =	vmor vm5, vm0;
	v14 =	vld [tilespmem:s8+$0xFFFFFFF0]  }
0x17b: {  	v18 =	vld [tilespmem:s8+$0xFFFFFFEF]  }
0x17c: {  	vm7 =	vmor vm7, vm1;
	v16 =	vld [tilespmem:s8+$0xFFFFFFCE];
	(xrf2) =	vadd.scan.msk.f32 $0xffff, v7  }
0x17d: {  	v19 =	vld [tilespmem:s8+$0xFFFFFFEE]  }
0x17e: {  	v20 =	vld [tilespmem:s8+$0xFFFFFFD0]  }
0x17f: {  	v10 =	vld [tilespmem:s8+$0xFFFFFFCF];
	v21, _, _ =	vpop (xrf2);
	(xrf2) =	vadd.scan.msk.f32 $0xffff, v9  }
0x180: {  	[tilespmem:v11+s23+$0x0] =	vst.idx.add.f32.msk vm5, v21;
	v22 =	vsub.f32 v12, v21;
	vm5 =	vne.s32 v18, v14  }
0x181: {  	v12 =	vld [tilespmem:s8+$0xFFFFFFDF];
	vm9 =	vmor vm5, vm0  }
0x182: {  	[tilespmem:v11+s23+$0x0] =	vst.idx.add.f32.msk vm7, v22;
	vm5 =	vne.s32 v18, v19;
	(xrf2) =	vadd.scan.msk.f32 $0xffff, v8  }
0x183: {  	v19 =	vld [tilespmem:s8+$0xFFFFFFDE];
	vm11 =	vmor vm5, vm1;
	v21, _, _ =	vpop (xrf2)  }
0x184: {  	v11 =	vld [tilespmem:s8+$0xFFFFFFBF];
	vm5 =	vne.s32 v10, v20;
	vm8 =	vne.s32 v10, v16  }
.Ltmp5:
0x185: {  	v14 =	vld [tilespmem:s8+$0xFFFFFFB0];
	vm5 =	vmor vm5, vm0;
	(xrf2) =	vadd.scan.msk.f32 $0xffff, v5;
	(pc) =	sbr.rel @p0 .LBB2_12-.Ltmp5, $4  }
0x186: {  	vm6 =	vmor vm6, vm0;
	v16 =	vld [tilespmem:s8+$0xFFFFFFBE];
	vm10 =	vne.s32 v12, v15;
	v15, _, _ =	vpop (xrf2)  }
0x187: {  	vm7 =	vmor vm4, vm1;
	v20 =	vsub.f32 v13, v21;
	[tilespmem:v18+s23+$0x0] =	vst.idx.add.f32.msk vm9, v21  }
0x188: {  	vm4 =	vmor vm10, vm0;
	v13 =	vld [tilespmem:s8+$0xFFFFFFAF];
	vm9 =	vne.s32 v12, v19;
	(xrf2) =	vadd.scan.msk.f32 $0xffff, v4  }
0x189: {  	s8 =	sadd.s32 $0x80, s8;
	vm10 =	vne.s32 v11, v17;
	vm9 =	vmor vm9, vm1;
	[tilespmem:v18+s23+$0x0] =	vst.idx.add.f32.msk vm11, v20;
	v17, _, _ =	vpop (xrf2)  }
0x18a: {  	_ =	sdelay $0x2  }
0x18b: {  	(xrf2) =	vadd.scan.msk.f32 $0xffff, v3  }
0x18c: {  	vm10 =	vmor vm10, vm0  }
0x18d: {  	vm8 =	vmor vm8, vm1;
	[tilespmem:v10+s23+$0x0] =	vst.idx.add.f32.msk vm5, v15;
	v9 =	vsub.f32 v9, v17;
	vm11 =	vne.s32 v11, v16  }
0x18e: {  	[tilespmem:v6+s23+$0x0] =	vst.idx.add.f32.msk vm6, v17;
	vm12 =	vmor vm11, vm1;
	v61, _, _ =	vpop (xrf2);
	vm13 =	vne.s32 v13, v14  }
0x18f: {  	[tilespmem:v6+s23+$0x0] =	vst.idx.add.f32.msk vm7, v9;
	v8 =	vsub.f32 v8, v61;
	vm6 =	vmor vm13, vm0  }
0x190: {  	vm3 =	vmor vm3, vm0;
	vm14 =	vne.s32 v13, v2;
	[tilespmem:v12+s23+$0x0] =	vst.idx.add.f32.msk vm4, v61;
	v2 =	vsub.f32 v7, v15  }
0x191: {  	vm15 =	vmor vm14, vm1;
	[tilespmem:v12+s23+$0x0] =	vst.idx.add.f32.msk vm9, v8;
	v62, _, _ =	vpop (xrf2)  }
0x192: {  	vm2 =	vmor vm2, vm1;
	[tilespmem:v11+s23+$0x0] =	vst.idx.add.f32.msk vm10, v62;
	v5 =	vsub.f32 v5, v62  }
0x193: {  	[tilespmem:v10+s23+$0x0] =	vst.idx.add.f32.msk vm8, v2  }
0x194: {  	[tilespmem:v11+s23+$0x0] =	vst.idx.add.f32.msk vm12, v5;
	v2, _, _ =	vpop (xrf2)  }
0x195: {  	[tilespmem:v13+s23+$0x0] =	vst.idx.add.f32.msk vm6, v2;
	v2 =	vsub.f32 v4, v2;
	v63, _, _ =	vpop (xrf2)  }
0x196: {  	[tilespmem:v1+s23+$0x0] =	vst.idx.add.f32.msk vm3, v63;
	v3 =	vsub.f32 v3, v63  }
0x197: {  	[tilespmem:v13+s23+$0x0] =	vst.idx.add.f32.msk vm15, v2  }
0x198: {  	s6 =	simm.s32 $0x0;
	[tilespmem:v1+s23+$0x0] =	vst.idx.add.f32.msk vm2, v3  }
.LBB2_14:
0x199: {  	s7 =	sshra.s32 s6, $0x2  }
0x19a: {  	v1 =	vld [tilespmem:s7+$0x7D40];
	_ =	sdelay $0x3  }
0x19b: {  	v2 =	vld [tilespmem:s7+$0x2ED0]  }
0x19c: {  	v3 =	vld [tilespmem:s7+$0x2ED1];
	(xrf2) =	vadd.scan.msk.f32 $0xffff, v1  }
0x19d: {  	v4 =	vld [tilespmem:s7+$0x2ECF];
	_ =	sdelay $0x3  }
0x19e: {  	vm2 =	vne.s32 v2, v3  }
0x19f: {  	vm3 =	vne.s32 v2, v4;
	vm2 =	vmor vm2, vm0  }
0x1a0: {  	vm3 =	vmor vm3, vm1  }
0x1a1: {  	p0 =	sne.s32 s6, $0x40  }
.Ltmp6:
0x1a2: {  	_ = 	snop;
	(pc) =	sbr.rel @p0 .LBB2_14-.Ltmp6, $4  }
0x1a3: {  	v3, _, _ =	vpop (xrf2)  }
0x1a4: {  	v1 =	vsub.f32 v1, v3  }
0x1a5: {  	[tilespmem:v2+s23+$0x0] =	vst.idx.add.f32.msk vm2, v3  }
0x1a6: {  	s6 =	sadd.s32 $0x40, s6;
	[tilespmem:v2+s23+$0x0] =	vst.idx.add.f32.msk vm3, v1  }
0x1a7: {  	_ =	swait.ge [sflag:s29], $0xFA0  }
0x1a8: {  	[sflag:s29] =	ssyncset.done $0x0  }
0x1a9: {  	[sflag:s29] =	ssyncadd.s32 $0xFFFFF060  }
0x1aa: {  	_ =	swait.ge [sflag:s30], $0xFA0  }
0x1ab: {  	[sflag:s30] =	ssyncset.done $0x0  }
0x1ac: {  	s7 =	simm.s32 $0x2F61;
	[sflag:s30] =	ssyncadd.s32 $0xFFFFF060  }
0x1ad: {  	v1 =	vld [tilespmem:s7+$0xFFFFFF9F]  }
0x1ae: {  	v11 =	vld [tilespmem:s7+$0xFFFFFFA0]  }
0x1af: {  	v13 =	vld [tilespmem:s7+$0xFFFFFF9E]  }
0x1b0: {  	v2 =	vld [tilespmem:s7+$0xFFFFFFAE]  }
0x1b1: {  	v17 =	vld [tilespmem:s7+$0xFFFFFFC0]  }
0x1b2: {  	v14 =	vld [tilespmem:s7+$0x0]  }
0x1b3: {  	v15 =	vld [tilespmem:s7+$0xFFFFFFFE]  }
0x1b4: {  	s6 =	simm.s32 $0x7DD0;
	v10 =	vld [tilespmem:s7+$0xFFFFFF8E]  }
0x1b5: {  	v12 =	vld [tilespmem:s6+$0xFFFFFF90]  }
0x1b6: {  	v3 =	vld [tilespmem:s7+$0xFFFFFF90]  }
0x1b7: {  	v16 =	vld [tilespmem:s7+$0xFFFFFF8F]  }
0x1b8: {  	v6 =	vld [tilespmem:s7+$0xFFFFFFFF]  }
0x1b9: {  	v9 =	vld [tilespmem:s6+$0x0]  }
0x1ba: {  	v18 =	vld [tilespmem:s6+$0xFFFFFFF0];
	(xrf2) =	vadd.scan.msk.f32 $0xffff, v12  }
0x1bb: {  	v8 =	vld [tilespmem:s6+$0xFFFFFFE0]  }
0x1bc: {  	v7 =	vld [tilespmem:s6+$0xFFFFFFD0]  }
0x1bd: {  	v5 =	vld [tilespmem:s6+$0xFFFFFFC0]  }
0x1be: {  	v4 =	vld [tilespmem:s6+$0xFFFFFFB0];
	vm2 =	vne.s32 v16, v3  }
0x1bf: {  	v19 =	vld [tilespmem:s7+$0xFFFFFFE0];
	vm2 =	vmor vm2, vm0  }
0x1c0: {  	v20 =	vld [tilespmem:s7+$0xFFFFFFF0];
	vm3 =	vne.s32 v16, v10  }
0x1c1: {  	v21 =	vld [tilespmem:s7+$0xFFFFFFEF];
	vm3 =	vmor vm3, vm1  }
0x1c2: {  	v22 =	vld [tilespmem:s7+$0xFFFFFFEE]  }
0x1c3: {  	v23 =	vld [tilespmem:s7+$0xFFFFFFD0];
	(xrf2) =	vadd.scan.msk.f32 $0xffff, v18  }
0x1c4: {  	v63 =	vld [tilespmem:s7+$0xFFFFFFDE];
	v10, _, _ =	vpop (xrf2)  }
0x1c5: {  	(xrf2) =	vadd.scan.msk.f32 $0xffff, v7;
	[tilespmem:v16+s23+$0x0] =	vst.idx.add.f32.msk vm2, v10;
	v12 =	vsub.f32 v12, v10  }
0x1c6: {  	(xrf2) =	vadd.scan.msk.f32 $0xffff, v9;
	v10 =	vld [tilespmem:s7+$0xFFFFFFCF]  }
0x1c7: {  	vm2 =	vne.s32 v21, v20;
	[tilespmem:v16+s23+$0x0] =	vst.idx.add.f32.msk vm3, v12  }
0x1c8: {  	vm4 =	vmor vm2, vm0;
	v16 =	vld [tilespmem:s7+$0xFFFFFFCE]  }
0x1c9: {  	(xrf2) =	vadd.scan.msk.f32 $0xffff, v8;
	vm2 =	vne.s32 v21, v22;
	v12 =	vld [tilespmem:s7+$0xFFFFFFDF]  }
0x1ca: {  	v3 =	vld [tilespmem:s6+$0xFFFFFFA0];
	vm11 =	vmor vm2, vm1  }
0x1cb: {  	vm3 =	vne.s32 v1, v11;
	v11 =	vld [tilespmem:s7+$0xFFFFFFBF];
	vm5 =	vne.s32 v10, v23  }
0x1cc: {  	vm6 =	vne.s32 v6, v14;
	v14 =	vld [tilespmem:s7+$0xFFFFFFB0];
	vm7 =	vne.s32 v6, v15;
	(xrf2) =	vadd.scan.msk.f32 $0xffff, v5;
	vm5 =	vmor vm5, vm0  }
0x1cd: {  	vm6 =	vmor vm6, vm0;
	vm2 =	vne.s32 v1, v13;
	v13, _, _ =	vpop (xrf2);
	vm8 =	vne.s32 v10, v16;
	v16 =	vld [tilespmem:s7+$0xFFFFFFBE]  }
0x1ce: {  	vm7 =	vmor vm7, vm1;
	v18 =	vsub.f32 v18, v13;
	vm9 =	vne.s32 v12, v19;
	[tilespmem:v21+s23+$0x0] =	vst.idx.add.f32.msk vm4, v13  }
0x1cf: {  	(xrf2) =	vadd.scan.msk.f32 $0xffff, v4;
	v15, _, _ =	vpop (xrf2);
	v13 =	vld [tilespmem:s7+$0xFFFFFFAF];
	vm4 =	vmor vm9, vm0;
	vm9 =	vne.s32 v12, v63  }
0x1d0: {  	s8 =	simm.s32 $0x2FE1;
	s7 =	simm.s32 $0x2EE;
	vm10 =	vne.s32 v11, v17;
	v17, _, _ =	vpop (xrf2);
	[tilespmem:v21+s23+$0x0] =	vst.idx.add.f32.msk vm11, v18;
	vm9 =	vmor vm9, vm1  }
.LBB2_16:
0x1d1: {  	v18 =	vld [tilespmem:s8+$0xFFFFFF9F];
	s7 =	sadd.s32 $0x8, s7;
	vm10 =	vmor vm10, vm0;
	vm8 =	vmor vm8, vm1;
	s6 =	sadd.s32 $0x80, s6  }
0x1d2: {  	v9 =	vsub.f32 v9, v17;
	p0 =	slt.u32 s7, $0x3DE;
	vm11 =	vne.s32 v11, v16;
	[tilespmem:v10+s23+$0x0] =	vst.idx.add.f32.msk vm5, v15;
	(xrf2) =	vadd.scan.msk.f32 $0xffff, v3  }
0x1d3: {  	vm5 =	vmor vm11, vm1;
	[tilespmem:v6+s23+$0x0] =	vst.idx.add.f32.msk vm6, v17;
	v16, _, _ =	vpop (xrf2)  }
0x1d4: {  	v7 =	vsub.f32 v7, v15;
	v8 =	vsub.f32 v8, v16;
	[tilespmem:v6+s23+$0x0] =	vst.idx.add.f32.msk vm7, v9  }
0x1d5: {  	vm6 =	vne.s32 v13, v14;
	vm7 =	vne.s32 v13, v2;
	[tilespmem:v12+s23+$0x0] =	vst.idx.add.f32.msk vm4, v16  }
0x1d6: {  	vm4 =	vmor vm6, vm0;
	[tilespmem:v12+s23+$0x0] =	vst.idx.add.f32.msk vm9, v8;
	v2, _, _ =	vpop (xrf2)  }
0x1d7: {  	vm3 =	vmor vm3, vm0;
	[tilespmem:v11+s23+$0x0] =	vst.idx.add.f32.msk vm10, v2;
	v5 =	vsub.f32 v5, v2  }
0x1d8: {  	vm6 =	vmor vm7, vm1;
	[tilespmem:v10+s23+$0x0] =	vst.idx.add.f32.msk vm8, v7  }
0x1d9: {  	vm2 =	vmor vm2, vm1;
	[tilespmem:v11+s23+$0x0] =	vst.idx.add.f32.msk vm5, v5;
	v2, _, _ =	vpop (xrf2)  }
0x1da: {  	v5 =	vld [tilespmem:s8+$0xFFFFFFA0]  }
0x1db: {  	v6 =	vld [tilespmem:s8+$0xFFFFFF9E]  }
0x1dc: {  	[tilespmem:v13+s23+$0x0] =	vst.idx.add.f32.msk vm4, v2;
	v2 =	vsub.f32 v4, v2;
	v4, _, _ =	vpop (xrf2)  }
0x1dd: {  	[tilespmem:v1+s23+$0x0] =	vst.idx.add.f32.msk vm3, v4;
	v3 =	vsub.f32 v3, v4  }
0x1de: {  	[tilespmem:v13+s23+$0x0] =	vst.idx.add.f32.msk vm6, v2  }
0x1df: {  	vm3 =	vne.s32 v18, v5;
	[tilespmem:v1+s23+$0x0] =	vst.idx.add.f32.msk vm2, v3;
	v1 =	vmov v18  }
0x1e0: {  	vm2 =	vne.s32 v1, v6;
	v2 =	vld [tilespmem:s8+$0xFFFFFFAE]  }
0x1e1: {  	v17 =	vld [tilespmem:s8+$0xFFFFFFC0]  }
0x1e2: {  	v3 =	vld [tilespmem:s8+$0x0]  }
0x1e3: {  	v4 =	vld [tilespmem:s8+$0xFFFFFFFE]  }
0x1e4: {  	v5 =	vld [tilespmem:s8+$0xFFFFFF8E]  }
0x1e5: {  	v7 =	vld [tilespmem:s8+$0xFFFFFF90]  }
0x1e6: {  	v11 =	vld [tilespmem:s8+$0xFFFFFF8F]  }
0x1e7: {  	v12 =	vld [tilespmem:s6+$0xFFFFFF90]  }
0x1e8: {  	v6 =	vld [tilespmem:s8+$0xFFFFFFFF]  }
0x1e9: {  	v9 =	vld [tilespmem:s6+$0x0]  }
0x1ea: {  	v13 =	vld [tilespmem:s6+$0xFFFFFFF0]  }
0x1eb: {  	vm5 =	vne.s32 v11, v7;
	vm7 =	vne.s32 v11, v5;
	v8 =	vld [tilespmem:s6+$0xFFFFFFE0]  }
0x1ec: {  	v7 =	vld [tilespmem:s6+$0xFFFFFFD0];
	(xrf2) =	vadd.scan.msk.f32 $0xffff, v12  }
0x1ed: {  	v5 =	vld [tilespmem:s6+$0xFFFFFFC0];
	vm6 =	vne.s32 v6, v3;
	vm4 =	vne.s32 v6, v4  }
0x1ee: {  	v4 =	vld [tilespmem:s6+$0xFFFFFFB0]  }
0x1ef: {  	v3 =	vld [tilespmem:s6+$0xFFFFFFA0]  }
0x1f0: {  	v15 =	vld [tilespmem:s8+$0xFFFFFFE0];
	(xrf2) =	vadd.scan.msk.f32 $0xffff, v13  }
0x1f1: {  	vm5 =	vmor vm5, vm0;
	v14 =	vld [tilespmem:s8+$0xFFFFFFF0]  }
0x1f2: {  	v18 =	vld [tilespmem:s8+$0xFFFFFFEF]  }
0x1f3: {  	vm7 =	vmor vm7, vm1;
	v16 =	vld [tilespmem:s8+$0xFFFFFFCE];
	(xrf2) =	vadd.scan.msk.f32 $0xffff, v7  }
0x1f4: {  	v19 =	vld [tilespmem:s8+$0xFFFFFFEE]  }
0x1f5: {  	v20 =	vld [tilespmem:s8+$0xFFFFFFD0]  }
0x1f6: {  	v10 =	vld [tilespmem:s8+$0xFFFFFFCF];
	v21, _, _ =	vpop (xrf2);
	(xrf2) =	vadd.scan.msk.f32 $0xffff, v9  }
0x1f7: {  	[tilespmem:v11+s23+$0x0] =	vst.idx.add.f32.msk vm5, v21;
	v22 =	vsub.f32 v12, v21;
	vm5 =	vne.s32 v18, v14  }
0x1f8: {  	v12 =	vld [tilespmem:s8+$0xFFFFFFDF];
	vm9 =	vmor vm5, vm0  }
0x1f9: {  	[tilespmem:v11+s23+$0x0] =	vst.idx.add.f32.msk vm7, v22;
	vm5 =	vne.s32 v18, v19;
	(xrf2) =	vadd.scan.msk.f32 $0xffff, v8  }
0x1fa: {  	v19 =	vld [tilespmem:s8+$0xFFFFFFDE];
	vm11 =	vmor vm5, vm1;
	v21, _, _ =	vpop (xrf2)  }
0x1fb: {  	v11 =	vld [tilespmem:s8+$0xFFFFFFBF];
	vm5 =	vne.s32 v10, v20;
	vm8 =	vne.s32 v10, v16  }
.Ltmp7:
0x1fc: {  	v14 =	vld [tilespmem:s8+$0xFFFFFFB0];
	vm5 =	vmor vm5, vm0;
	(xrf2) =	vadd.scan.msk.f32 $0xffff, v5;
	(pc) =	sbr.rel @p0 .LBB2_16-.Ltmp7, $4  }
0x1fd: {  	vm6 =	vmor vm6, vm0;
	v16 =	vld [tilespmem:s8+$0xFFFFFFBE];
	vm10 =	vne.s32 v12, v15;
	v15, _, _ =	vpop (xrf2)  }
0x1fe: {  	vm7 =	vmor vm4, vm1;
	v20 =	vsub.f32 v13, v21;
	[tilespmem:v18+s23+$0x0] =	vst.idx.add.f32.msk vm9, v21  }
0x1ff: {  	vm4 =	vmor vm10, vm0;
	v13 =	vld [tilespmem:s8+$0xFFFFFFAF];
	vm9 =	vne.s32 v12, v19;
	(xrf2) =	vadd.scan.msk.f32 $0xffff, v4  }
0x200: {  	s8 =	sadd.s32 $0x80, s8;
	vm10 =	vne.s32 v11, v17;
	vm9 =	vmor vm9, vm1;
	[tilespmem:v18+s23+$0x0] =	vst.idx.add.f32.msk vm11, v20;
	v17, _, _ =	vpop (xrf2)  }
0x201: {  	_ =	sdelay $0x2  }
0x202: {  	(xrf2) =	vadd.scan.msk.f32 $0xffff, v3  }
0x203: {  	vm10 =	vmor vm10, vm0  }
0x204: {  	vm8 =	vmor vm8, vm1;
	[tilespmem:v10+s23+$0x0] =	vst.idx.add.f32.msk vm5, v15;
	v9 =	vsub.f32 v9, v17;
	vm11 =	vne.s32 v11, v16  }
0x205: {  	[tilespmem:v6+s23+$0x0] =	vst.idx.add.f32.msk vm6, v17;
	vm12 =	vmor vm11, vm1;
	v61, _, _ =	vpop (xrf2);
	vm13 =	vne.s32 v13, v14  }
0x206: {  	[tilespmem:v6+s23+$0x0] =	vst.idx.add.f32.msk vm7, v9;
	v8 =	vsub.f32 v8, v61;
	vm6 =	vmor vm13, vm0  }
0x207: {  	vm3 =	vmor vm3, vm0;
	vm14 =	vne.s32 v13, v2;
	[tilespmem:v12+s23+$0x0] =	vst.idx.add.f32.msk vm4, v61;
	v2 =	vsub.f32 v7, v15  }
0x208: {  	vm15 =	vmor vm14, vm1;
	[tilespmem:v12+s23+$0x0] =	vst.idx.add.f32.msk vm9, v8;
	v62, _, _ =	vpop (xrf2)  }
0x209: {  	vm2 =	vmor vm2, vm1;
	[tilespmem:v11+s23+$0x0] =	vst.idx.add.f32.msk vm10, v62;
	v5 =	vsub.f32 v5, v62  }
0x20a: {  	[tilespmem:v10+s23+$0x0] =	vst.idx.add.f32.msk vm8, v2  }
0x20b: {  	[tilespmem:v11+s23+$0x0] =	vst.idx.add.f32.msk vm12, v5;
	v2, _, _ =	vpop (xrf2)  }
0x20c: {  	[tilespmem:v13+s23+$0x0] =	vst.idx.add.f32.msk vm6, v2;
	v2 =	vsub.f32 v4, v2;
	v63, _, _ =	vpop (xrf2)  }
0x20d: {  	[tilespmem:v1+s23+$0x0] =	vst.idx.add.f32.msk vm3, v63;
	v3 =	vsub.f32 v3, v63  }
0x20e: {  	[tilespmem:v13+s23+$0x0] =	vst.idx.add.f32.msk vm15, v2  }
0x20f: {  	s6 =	simm.s32 $0x0;
	[tilespmem:v1+s23+$0x0] =	vst.idx.add.f32.msk vm2, v3  }
.LBB2_18:
0x210: {  	s7 =	sshra.s32 s6, $0x2  }
0x211: {  	v1 =	vld [tilespmem:s7+$0x8CE0];
	_ =	sdelay $0x3  }
0x212: {  	v2 =	vld [tilespmem:s7+$0x3E70]  }
0x213: {  	v3 =	vld [tilespmem:s7+$0x3E71];
	(xrf2) =	vadd.scan.msk.f32 $0xffff, v1  }
0x214: {  	v4 =	vld [tilespmem:s7+$0x3E6F];
	_ =	sdelay $0x3  }
0x215: {  	vm2 =	vne.s32 v2, v3  }
0x216: {  	vm3 =	vne.s32 v2, v4;
	vm2 =	vmor vm2, vm0  }
0x217: {  	vm3 =	vmor vm3, vm1  }
0x218: {  	p0 =	sne.s32 s6, $0x40  }
.Ltmp8:
0x219: {  	_ = 	snop;
	(pc) =	sbr.rel @p0 .LBB2_18-.Ltmp8, $4  }
0x21a: {  	v3, _, _ =	vpop (xrf2)  }
0x21b: {  	v1 =	vsub.f32 v1, v3  }
0x21c: {  	[tilespmem:v2+s23+$0x0] =	vst.idx.add.f32.msk vm2, v3  }
0x21d: {  	s6 =	sadd.s32 $0x40, s6;
	[tilespmem:v2+s23+$0x0] =	vst.idx.add.f32.msk vm3, v1  }
0x21e: {  	_ =	swait.ge [sflag:s31], $0xFA0  }
0x21f: {  	[sflag:s31] =	ssyncset.done $0x0  }
0x220: {  	[sflag:s31] =	ssyncadd.s32 $0xFFFFF060  }
0x221: {  	_ =	swait.ge [sflag:s1], $0xFA0  }
0x222: {  	[sflag:s1] =	ssyncset.done $0x0  }
0x223: {  	s7 =	simm.s32 $0x3F01;
	[sflag:s1] =	ssyncadd.s32 $0xFFFFF060  }
0x224: {  	v1 =	vld [tilespmem:s7+$0xFFFFFF9F]  }
0x225: {  	v11 =	vld [tilespmem:s7+$0xFFFFFFA0]  }
0x226: {  	v13 =	vld [tilespmem:s7+$0xFFFFFF9E]  }
0x227: {  	v2 =	vld [tilespmem:s7+$0xFFFFFFAE]  }
0x228: {  	v17 =	vld [tilespmem:s7+$0xFFFFFFC0]  }
0x229: {  	v14 =	vld [tilespmem:s7+$0x0]  }
0x22a: {  	v15 =	vld [tilespmem:s7+$0xFFFFFFFE]  }
0x22b: {  	s6 =	simm.s32 $0x8D70;
	v10 =	vld [tilespmem:s7+$0xFFFFFF8E]  }
0x22c: {  	v12 =	vld [tilespmem:s6+$0xFFFFFF90]  }
0x22d: {  	v3 =	vld [tilespmem:s7+$0xFFFFFF90]  }
0x22e: {  	v16 =	vld [tilespmem:s7+$0xFFFFFF8F]  }
0x22f: {  	v6 =	vld [tilespmem:s7+$0xFFFFFFFF]  }
0x230: {  	v9 =	vld [tilespmem:s6+$0x0]  }
0x231: {  	v18 =	vld [tilespmem:s6+$0xFFFFFFF0];
	(xrf2) =	vadd.scan.msk.f32 $0xffff, v12  }
0x232: {  	v8 =	vld [tilespmem:s6+$0xFFFFFFE0]  }
0x233: {  	v7 =	vld [tilespmem:s6+$0xFFFFFFD0]  }
0x234: {  	v5 =	vld [tilespmem:s6+$0xFFFFFFC0]  }
0x235: {  	v4 =	vld [tilespmem:s6+$0xFFFFFFB0];
	vm2 =	vne.s32 v16, v3  }
0x236: {  	v19 =	vld [tilespmem:s7+$0xFFFFFFE0];
	vm2 =	vmor vm2, vm0  }
0x237: {  	v20 =	vld [tilespmem:s7+$0xFFFFFFF0];
	vm3 =	vne.s32 v16, v10  }
0x238: {  	v21 =	vld [tilespmem:s7+$0xFFFFFFEF];
	vm3 =	vmor vm3, vm1  }
0x239: {  	v22 =	vld [tilespmem:s7+$0xFFFFFFEE]  }
0x23a: {  	v23 =	vld [tilespmem:s7+$0xFFFFFFD0];
	(xrf2) =	vadd.scan.msk.f32 $0xffff, v18  }
0x23b: {  	v63 =	vld [tilespmem:s7+$0xFFFFFFDE];
	v10, _, _ =	vpop (xrf2)  }
0x23c: {  	(xrf2) =	vadd.scan.msk.f32 $0xffff, v7;
	[tilespmem:v16+s23+$0x0] =	vst.idx.add.f32.msk vm2, v10;
	v12 =	vsub.f32 v12, v10  }
0x23d: {  	(xrf2) =	vadd.scan.msk.f32 $0xffff, v9;
	v10 =	vld [tilespmem:s7+$0xFFFFFFCF]  }
0x23e: {  	vm2 =	vne.s32 v21, v20;
	[tilespmem:v16+s23+$0x0] =	vst.idx.add.f32.msk vm3, v12  }
0x23f: {  	vm4 =	vmor vm2, vm0;
	v16 =	vld [tilespmem:s7+$0xFFFFFFCE]  }
0x240: {  	(xrf2) =	vadd.scan.msk.f32 $0xffff, v8;
	vm2 =	vne.s32 v21, v22;
	v12 =	vld [tilespmem:s7+$0xFFFFFFDF]  }
0x241: {  	v3 =	vld [tilespmem:s6+$0xFFFFFFA0];
	vm11 =	vmor vm2, vm1  }
0x242: {  	vm3 =	vne.s32 v1, v11;
	v11 =	vld [tilespmem:s7+$0xFFFFFFBF];
	vm5 =	vne.s32 v10, v23  }
0x243: {  	vm6 =	vne.s32 v6, v14;
	v14 =	vld [tilespmem:s7+$0xFFFFFFB0];
	vm7 =	vne.s32 v6, v15;
	(xrf2) =	vadd.scan.msk.f32 $0xffff, v5;
	vm5 =	vmor vm5, vm0  }
0x244: {  	vm6 =	vmor vm6, vm0;
	vm2 =	vne.s32 v1, v13;
	v13, _, _ =	vpop (xrf2);
	vm8 =	vne.s32 v10, v16;
	v16 =	vld [tilespmem:s7+$0xFFFFFFBE]  }
0x245: {  	vm7 =	vmor vm7, vm1;
	v18 =	vsub.f32 v18, v13;
	vm9 =	vne.s32 v12, v19;
	[tilespmem:v21+s23+$0x0] =	vst.idx.add.f32.msk vm4, v13  }
0x246: {  	(xrf2) =	vadd.scan.msk.f32 $0xffff, v4;
	v15, _, _ =	vpop (xrf2);
	v13 =	vld [tilespmem:s7+$0xFFFFFFAF];
	vm4 =	vmor vm9, vm0;
	vm9 =	vne.s32 v12, v63  }
0x247: {  	s8 =	simm.s32 $0x3F81;
	s7 =	simm.s32 $0x3E8;
	vm10 =	vne.s32 v11, v17;
	v17, _, _ =	vpop (xrf2);
	[tilespmem:v21+s23+$0x0] =	vst.idx.add.f32.msk vm11, v18;
	vm9 =	vmor vm9, vm1  }
.LBB2_20:
0x248: {  	v18 =	vld [tilespmem:s8+$0xFFFFFF9F];
	s7 =	sadd.s32 $0x8, s7;
	vm10 =	vmor vm10, vm0;
	vm8 =	vmor vm8, vm1;
	s6 =	sadd.s32 $0x80, s6  }
0x249: {  	v9 =	vsub.f32 v9, v17;
	p0 =	slt.u32 s7, $0x4D8;
	vm11 =	vne.s32 v11, v16;
	[tilespmem:v10+s23+$0x0] =	vst.idx.add.f32.msk vm5, v15;
	(xrf2) =	vadd.scan.msk.f32 $0xffff, v3  }
0x24a: {  	vm5 =	vmor vm11, vm1;
	[tilespmem:v6+s23+$0x0] =	vst.idx.add.f32.msk vm6, v17;
	v16, _, _ =	vpop (xrf2)  }
0x24b: {  	v7 =	vsub.f32 v7, v15;
	v8 =	vsub.f32 v8, v16;
	[tilespmem:v6+s23+$0x0] =	vst.idx.add.f32.msk vm7, v9  }
0x24c: {  	vm6 =	vne.s32 v13, v14;
	vm7 =	vne.s32 v13, v2;
	[tilespmem:v12+s23+$0x0] =	vst.idx.add.f32.msk vm4, v16  }
0x24d: {  	vm4 =	vmor vm6, vm0;
	[tilespmem:v12+s23+$0x0] =	vst.idx.add.f32.msk vm9, v8;
	v2, _, _ =	vpop (xrf2)  }
0x24e: {  	vm3 =	vmor vm3, vm0;
	[tilespmem:v11+s23+$0x0] =	vst.idx.add.f32.msk vm10, v2;
	v5 =	vsub.f32 v5, v2  }
0x24f: {  	vm6 =	vmor vm7, vm1;
	[tilespmem:v10+s23+$0x0] =	vst.idx.add.f32.msk vm8, v7  }
0x250: {  	vm2 =	vmor vm2, vm1;
	[tilespmem:v11+s23+$0x0] =	vst.idx.add.f32.msk vm5, v5;
	v2, _, _ =	vpop (xrf2)  }
0x251: {  	v5 =	vld [tilespmem:s8+$0xFFFFFFA0]  }
0x252: {  	v6 =	vld [tilespmem:s8+$0xFFFFFF9E]  }
0x253: {  	[tilespmem:v13+s23+$0x0] =	vst.idx.add.f32.msk vm4, v2;
	v2 =	vsub.f32 v4, v2;
	v4, _, _ =	vpop (xrf2)  }
0x254: {  	[tilespmem:v1+s23+$0x0] =	vst.idx.add.f32.msk vm3, v4;
	v3 =	vsub.f32 v3, v4  }
0x255: {  	[tilespmem:v13+s23+$0x0] =	vst.idx.add.f32.msk vm6, v2  }
0x256: {  	vm3 =	vne.s32 v18, v5;
	[tilespmem:v1+s23+$0x0] =	vst.idx.add.f32.msk vm2, v3;
	v1 =	vmov v18  }
0x257: {  	vm2 =	vne.s32 v1, v6;
	v2 =	vld [tilespmem:s8+$0xFFFFFFAE]  }
0x258: {  	v17 =	vld [tilespmem:s8+$0xFFFFFFC0]  }
0x259: {  	v3 =	vld [tilespmem:s8+$0x0]  }
0x25a: {  	v4 =	vld [tilespmem:s8+$0xFFFFFFFE]  }
0x25b: {  	v5 =	vld [tilespmem:s8+$0xFFFFFF8E]  }
0x25c: {  	v7 =	vld [tilespmem:s8+$0xFFFFFF90]  }
0x25d: {  	v11 =	vld [tilespmem:s8+$0xFFFFFF8F]  }
0x25e: {  	v12 =	vld [tilespmem:s6+$0xFFFFFF90]  }
0x25f: {  	v6 =	vld [tilespmem:s8+$0xFFFFFFFF]  }
0x260: {  	v9 =	vld [tilespmem:s6+$0x0]  }
0x261: {  	v13 =	vld [tilespmem:s6+$0xFFFFFFF0]  }
0x262: {  	vm5 =	vne.s32 v11, v7;
	vm7 =	vne.s32 v11, v5;
	v8 =	vld [tilespmem:s6+$0xFFFFFFE0]  }
0x263: {  	v7 =	vld [tilespmem:s6+$0xFFFFFFD0];
	(xrf2) =	vadd.scan.msk.f32 $0xffff, v12  }
0x264: {  	v5 =	vld [tilespmem:s6+$0xFFFFFFC0];
	vm6 =	vne.s32 v6, v3;
	vm4 =	vne.s32 v6, v4  }
0x265: {  	v4 =	vld [tilespmem:s6+$0xFFFFFFB0]  }
0x266: {  	v3 =	vld [tilespmem:s6+$0xFFFFFFA0]  }
0x267: {  	v15 =	vld [tilespmem:s8+$0xFFFFFFE0];
	(xrf2) =	vadd.scan.msk.f32 $0xffff, v13  }
0x268: {  	vm5 =	vmor vm5, vm0;
	v14 =	vld [tilespmem:s8+$0xFFFFFFF0]  }
0x269: {  	v18 =	vld [tilespmem:s8+$0xFFFFFFEF]  }
0x26a: {  	vm7 =	vmor vm7, vm1;
	v16 =	vld [tilespmem:s8+$0xFFFFFFCE];
	(xrf2) =	vadd.scan.msk.f32 $0xffff, v7  }
0x26b: {  	v19 =	vld [tilespmem:s8+$0xFFFFFFEE]  }
0x26c: {  	v20 =	vld [tilespmem:s8+$0xFFFFFFD0]  }
0x26d: {  	v10 =	vld [tilespmem:s8+$0xFFFFFFCF];
	v21, _, _ =	vpop (xrf2);
	(xrf2) =	vadd.scan.msk.f32 $0xffff, v9  }
0x26e: {  	[tilespmem:v11+s23+$0x0] =	vst.idx.add.f32.msk vm5, v21;
	v22 =	vsub.f32 v12, v21;
	vm5 =	vne.s32 v18, v14  }
0x26f: {  	v12 =	vld [tilespmem:s8+$0xFFFFFFDF];
	vm9 =	vmor vm5, vm0  }
0x270: {  	[tilespmem:v11+s23+$0x0] =	vst.idx.add.f32.msk vm7, v22;
	vm5 =	vne.s32 v18, v19;
	(xrf2) =	vadd.scan.msk.f32 $0xffff, v8  }
0x271: {  	v19 =	vld [tilespmem:s8+$0xFFFFFFDE];
	vm11 =	vmor vm5, vm1;
	v21, _, _ =	vpop (xrf2)  }
0x272: {  	v11 =	vld [tilespmem:s8+$0xFFFFFFBF];
	vm5 =	vne.s32 v10, v20;
	vm8 =	vne.s32 v10, v16  }
.Ltmp9:
0x273: {  	v14 =	vld [tilespmem:s8+$0xFFFFFFB0];
	vm5 =	vmor vm5, vm0;
	(xrf2) =	vadd.scan.msk.f32 $0xffff, v5;
	(pc) =	sbr.rel @p0 .LBB2_20-.Ltmp9, $4  }
0x274: {  	vm6 =	vmor vm6, vm0;
	v16 =	vld [tilespmem:s8+$0xFFFFFFBE];
	vm10 =	vne.s32 v12, v15;
	v15, _, _ =	vpop (xrf2)  }
0x275: {  	vm7 =	vmor vm4, vm1;
	v20 =	vsub.f32 v13, v21;
	[tilespmem:v18+s23+$0x0] =	vst.idx.add.f32.msk vm9, v21  }
0x276: {  	vm4 =	vmor vm10, vm0;
	v13 =	vld [tilespmem:s8+$0xFFFFFFAF];
	vm9 =	vne.s32 v12, v19;
	(xrf2) =	vadd.scan.msk.f32 $0xffff, v4  }
0x277: {  	s8 =	sadd.s32 $0x80, s8;
	vm10 =	vne.s32 v11, v17;
	vm9 =	vmor vm9, vm1;
	[tilespmem:v18+s23+$0x0] =	vst.idx.add.f32.msk vm11, v20;
	v17, _, _ =	vpop (xrf2)  }
0x278: {  	_ =	sdelay $0x2  }
0x279: {  	(xrf2) =	vadd.scan.msk.f32 $0xffff, v3  }
0x27a: {  	vm10 =	vmor vm10, vm0  }
0x27b: {  	vm8 =	vmor vm8, vm1;
	[tilespmem:v10+s23+$0x0] =	vst.idx.add.f32.msk vm5, v15;
	v9 =	vsub.f32 v9, v17;
	vm11 =	vne.s32 v11, v16  }
0x27c: {  	[tilespmem:v6+s23+$0x0] =	vst.idx.add.f32.msk vm6, v17;
	vm12 =	vmor vm11, vm1;
	v61, _, _ =	vpop (xrf2);
	vm13 =	vne.s32 v13, v14  }
0x27d: {  	[tilespmem:v6+s23+$0x0] =	vst.idx.add.f32.msk vm7, v9;
	v8 =	vsub.f32 v8, v61;
	vm6 =	vmor vm13, vm0  }
0x27e: {  	vm3 =	vmor vm3, vm0;
	vm14 =	vne.s32 v13, v2;
	[tilespmem:v12+s23+$0x0] =	vst.idx.add.f32.msk vm4, v61;
	v2 =	vsub.f32 v7, v15  }
0x27f: {  	vm15 =	vmor vm14, vm1;
	[tilespmem:v12+s23+$0x0] =	vst.idx.add.f32.msk vm9, v8;
	v62, _, _ =	vpop (xrf2)  }
0x280: {  	vm2 =	vmor vm2, vm1;
	[tilespmem:v11+s23+$0x0] =	vst.idx.add.f32.msk vm10, v62;
	v5 =	vsub.f32 v5, v62  }
0x281: {  	[tilespmem:v10+s23+$0x0] =	vst.idx.add.f32.msk vm8, v2  }
0x282: {  	[tilespmem:v11+s23+$0x0] =	vst.idx.add.f32.msk vm12, v5;
	v2, _, _ =	vpop (xrf2)  }
0x283: {  	[tilespmem:v13+s23+$0x0] =	vst.idx.add.f32.msk vm6, v2;
	v2 =	vsub.f32 v4, v2;
	v63, _, _ =	vpop (xrf2)  }
0x284: {  	[tilespmem:v1+s23+$0x0] =	vst.idx.add.f32.msk vm3, v63;
	v3 =	vsub.f32 v3, v63  }
0x285: {  	[tilespmem:v13+s23+$0x0] =	vst.idx.add.f32.msk vm15, v2  }
0x286: {  	s6 =	simm.s32 $0x0;
	[tilespmem:v1+s23+$0x0] =	vst.idx.add.f32.msk vm2, v3  }
.LBB2_22:
0x287: {  	s7 =	sshra.s32 s6, $0x2  }
0x288: {  	v1 =	vld [tilespmem:s7+$0x9C80];
	_ =	sdelay $0x3  }
0x289: {  	v2 =	vld [tilespmem:s7+$0x4E10]  }
0x28a: {  	v3 =	vld [tilespmem:s7+$0x4E11];
	(xrf2) =	vadd.scan.msk.f32 $0xffff, v1  }
0x28b: {  	v4 =	vld [tilespmem:s7+$0x4E0F];
	_ =	sdelay $0x3  }
0x28c: {  	vm2 =	vne.s32 v2, v3  }
0x28d: {  	vm3 =	vne.s32 v2, v4;
	vm2 =	vmor vm2, vm0  }
0x28e: {  	vm3 =	vmor vm3, vm1  }
0x28f: {  	p0 =	sne.s32 s6, $0x40  }
.Ltmp10:
0x290: {  	_ = 	snop;
	(pc) =	sbr.rel @p0 .LBB2_22-.Ltmp10, $4  }
0x291: {  	v3, _, _ =	vpop (xrf2)  }
0x292: {  	v1 =	vsub.f32 v1, v3  }
0x293: {  	[tilespmem:v2+s23+$0x0] =	vst.idx.add.f32.msk vm2, v3  }
0x294: {  	s6 =	sadd.s32 $0x40, s6;
	[tilespmem:v2+s23+$0x0] =	vst.idx.add.f32.msk vm3, v1  }
0x295: {  	s6 =	rddreg [dreg:$0xf];
	s7 =	simm.s32 $0x80;
	s8 =	simm.s32 $0x400  }
0x296: {  	[spmem:s6] =	stream.strided.scatter [tilespmem:s23], [sflag:$0xB], $0x2800, s8, s7, $0x38;
	[tilespmem:$0x14180] =	vst v63  }
0x297: {  	_ =	swait.ge [sflag:s2], $0x2800  }
0x298: {  	[sflag:s2] =	ssyncset.done $0x0  }
0x299: {  	[sflag:s2] =	ssyncadd.s32 $0xFFFFD800  }
0x29a: {  	s14 =	simm.s32 $0x1400;
	s15 =	simm.s32 $0x14000;
	[bflag:$0x0] =	sbarrier.arrive $0xFFFF  }
0x29b: {  	s9 =	simm.s32 $0xC500;
	s10 =	simm.s32 $0x0;
	s13 =	rddreg [dreg:$0x10]  }
0x29c: {  	[tilespmem:s9], [sflag:$0xB] =	stream.strided.gather [spmem:s13], $0x2800, s15, s14, $0x38;
	[tilespmem:$0x14180] =	vst v63  }
0x29d: {  	s7 =	sand.u32 $0x60, s10;
	s6 =	sand.u32 $0x1C00, s10;
	_ =	swait.ge [sflag:s2], $0x2800  }
0x29e: {  	s16 =	sadd.s32 $0xC500, s6;
	s11 =	sor.u32 $0x10, s7;
	[sflag:s2] =	ssyncset.done $0x0  }
0x29f: {  	s17 =	sor.u32 s11, s16;
	[sflag:s2] =	ssyncadd.s32 $0xFFFFD800  }
0x2a0: {  	v1 =	vld [tilespmem:s17+$0x0]  }
0x2a1: {  	s8 =	sor.u32 s7, s16;
	v2 =	vld [tilespmem:s17+$0x80]  }
0x2a2: {  	v3 =	vld [tilespmem:s8+$0x0]  }
0x2a3: {  	v4 =	vld [tilespmem:s17+$0x100]  }
0x2a4: {  	v5 =	vld [tilespmem:s8+$0x80]  }
0x2a5: {  	v6 =	vld [tilespmem:s17+$0x180]  }
0x2a6: {  	v7 =	vld [tilespmem:s8+$0x100]  }
0x2a7: {  	v8 =	vld [tilespmem:s17+$0x200]  }
0x2a8: {  	v9 =	vld [tilespmem:s8+$0x180]  }
0x2a9: {  	v10 =	vld [tilespmem:s17+$0x280]  }
0x2aa: {  	v11 =	vld [tilespmem:s8+$0x200]  }
0x2ab: {  	v12 =	vld [tilespmem:s17+$0x300]  }
0x2ac: {  	v13 =	vld [tilespmem:s8+$0x280]  }
0x2ad: {  	s12 =	sadd.s32 $0xD900, s6;
	v14 =	vld [tilespmem:s17+$0x380]  }
0x2ae: {  	s18 =	sor.u32 s11, s12;
	v15 =	vld [tilespmem:s8+$0x300]  }
0x2af: {  	s13 =	sadd.s32 $0xD980, s6;
	v16 =	vld [tilespmem:s18+$0x0]  }
0x2b0: {  	s9 =	sor.u32 s11, s13;
	v17 =	vld [tilespmem:s8+$0x380]  }
0x2b1: {  	s14 =	sor.u32 s7, s12;
	s15 =	sadd.s32 $0xDA00, s6;
	v18 =	vld [tilespmem:s9+$0x0]  }
0x2b2: {  	s16 =	sor.u32 s11, s15;
	v19 =	vld [tilespmem:s14+$0x0];
	v1 =	vadd.f32 v2, v1  }
0x2b3: {  	s17 =	sor.u32 s7, s13;
	s18 =	sadd.s32 $0xDA80, s6;
	v2 =	vadd.f32 v5, v3;
	v3 =	vld [tilespmem:s16+$0x0]  }
0x2b4: {  	v5 =	vld [tilespmem:s17+$0x0];
	s17 =	sor.u32 s7, s18;
	v1 =	vadd.f32 v4, v1  }
0x2b5: {  	s9 =	sor.u32 s11, s18;
	v48 =	vld [tilespmem:s17+$0x0];
	v2 =	vadd.f32 v7, v2  }
0x2b6: {  	s14 =	sor.u32 s7, s15;
	s15 =	sadd.s32 $0xDB00, s6;
	v4 =	vld [tilespmem:s9+$0x0];
	v1 =	vadd.f32 v6, v1  }
0x2b7: {  	s12 =	sadd.s32 $0xDC00, s6;
	v7 =	vld [tilespmem:s14+$0x0];
	s14 =	sor.u32 s7, s15;
	v2 =	vadd.f32 v9, v2  }
0x2b8: {  	s16 =	sor.u32 s11, s15;
	s17 =	sadd.s32 $0xDC80, s6;
	s15 =	sor.u32 s11, s12;
	v49 =	vld [tilespmem:s14+$0x0];
	v1 =	vadd.f32 v8, v1  }
0x2b9: {  	s13 =	sor.u32 s7, s17;
	v50 =	vld [tilespmem:s15+$0x0];
	v2 =	vadd.f32 v11, v2  }
0x2ba: {  	v54 =	vld [tilespmem:s13+$0x0];
	v1 =	vadd.f32 v10, v1  }
0x2bb: {  	s18 =	sadd.s32 $0xDB80, s6;
	s6 =	simm.s32 $0x20;
	s15 =	sor.u32 s7, s12;
	v6 =	vld [tilespmem:s16+$0x0];
	v2 =	vadd.f32 v13, v2  }
0x2bc: {  	s9 =	sor.u32 s11, s18;
	s14 =	simm.s32 $0x100;
	s16 =	sor.u32 s7, s18;
	v53 =	vld [tilespmem:s15+$0x0];
	v1 =	vadd.f32 v12, v1  }
0x2bd: {  	s8 =	sand.u32 $0x60, s6;
	s18 =	sor.u32 s11, s17;
	s12 =	sand.u32 $0x1C00, s14;
	v51 =	vld [tilespmem:s16+$0x0];
	v2 =	vadd.f32 v15, v2  }
0x2be: {  	s7 =	sor.u32 $0x10, s8;
	v52 =	vld [tilespmem:s18+$0x0];
	s14 =	sadd.s32 $0xC500, s12;
	v1 =	vadd.f32 v14, v1  }
0x2bf: {  	v8 =	vld [tilespmem:s9+$0x0];
	s16 =	sor.u32 s7, s14;
	v2 =	vadd.f32 v17, v2  }
0x2c0: {  	v55 =	vld [tilespmem:s16+$0x0];
	v1 =	vadd.f32 v16, v1  }
0x2c1: {  	s17 =	sor.u32 s8, s14;
	v56 =	vld [tilespmem:s16+$0x80];
	v2 =	vadd.f32 v19, v2  }
0x2c2: {  	v57 =	vld [tilespmem:s17+$0x0];
	v1 =	vadd.f32 v18, v1  }
0x2c3: {  	v2 =	vadd.f32 v5, v2;
	v5 =	vld [tilespmem:s16+$0x100]  }
0x2c4: {  	v58 =	vld [tilespmem:s17+$0x80];
	v1 =	vadd.f32 v3, v1  }
0x2c5: {  	v2 =	vadd.f32 v7, v2;
	v3 =	vld [tilespmem:s16+$0x180]  }
0x2c6: {  	v59 =	vld [tilespmem:s17+$0x100];
	v7 =	vadd.f32 v56, v55;
	v1 =	vadd.f32 v4, v1  }
0x2c7: {  	v2 =	vadd.f32 v48, v2;
	v4 =	vld [tilespmem:s16+$0x200]  }
0x2c8: {  	v5 =	vadd.f32 v5, v7;
	v7 =	vld [tilespmem:s17+$0x180];
	v1 =	vadd.f32 v6, v1  }
0x2c9: {  	v60 =	vadd.f32 v58, v57;
	v2 =	vadd.f32 v49, v2;
	v6 =	vld [tilespmem:s16+$0x280]  }
0x2ca: {  	v3 =	vadd.f32 v3, v5;
	v5 =	vld [tilespmem:s17+$0x200];
	v1 =	vadd.f32 v8, v1  }
0x2cb: {  	v9 =	vadd.f32 v59, v60;
	v2 =	vadd.f32 v51, v2;
	v8 =	vld [tilespmem:s16+$0x300]  }
0x2cc: {  	v3 =	vadd.f32 v4, v3;
	v4 =	vld [tilespmem:s17+$0x280];
	v1 =	vadd.f32 v50, v1  }
0x2cd: {  	s18 =	sadd.s32 $0xD900, s12;
	v61 =	vld [tilespmem:s16+$0x380];
	v2 =	vadd.f32 v53, v2;
	v7 =	vadd.f32 v7, v9  }
0x2ce: {  	s15 =	sor.u32 s7, s18;
	v3 =	vadd.f32 v6, v3;
	v6 =	vld [tilespmem:s17+$0x300];
	v1 =	vadd.f32 v52, v1  }
0x2cf: {  	v62 =	vld [tilespmem:s15+$0x0];
	s16 =	sadd.s32 $0xD980, s12;
	v2 =	vadd.f32 v54, v2;
	v5 =	vadd.f32 v5, v7  }
0x2d0: {  	v7 =	vld [tilespmem:s17+$0x380];
	s17 =	sor.u32 s7, s16;
	v3 =	vadd.f32 v8, v3;
	(erf) = vrcp.f32 v1  }
0x2d1: {  	s13 =	sor.u32 s8, s18;
	s18 =	sadd.s32 $0xDA00, s12;
	v1 =	vld [tilespmem:s17+$0x0];
	(erf) = vrcp.f32 v2;
	v2 =	vadd.f32 v4, v5  }
0x2d2: {  	v4 =	vld [tilespmem:s13+$0x0];
	v3 =	vadd.f32 v61, v3;
	s13 =	sor.u32 s7, s18  }
0x2d3: {  	s15 =	sadd.s32 $0xDA80, s12;
	s16 =	sor.u32 s8, s16;
	v5 =	vld [tilespmem:s13+$0x0];
	v2 =	vadd.f32 v6, v2  }
0x2d4: {  	s17 =	sor.u32 s7, s15;
	v6 =	vld [tilespmem:s16+$0x0];
	v3 =	vadd.f32 v62, v3  }
0x2d5: {  	s14 =	sadd.s32 $0xDB00, s12;
	s18 =	sor.u32 s8, s18;
	v8 =	vld [tilespmem:s17+$0x0];
	v2 =	vadd.f32 v7, v2  }
0x2d6: {  	s16 =	sor.u32 s7, s14;
	v7 =	vld [tilespmem:s18+$0x0];
	v1 =	vadd.f32 v1, v3  }
0x2d7: {  	s17 =	sor.u32 s8, s15;
	s15 =	sadd.s32 $0xDB80, s12;
	v63 =	vld [tilespmem:s16+$0x0];
	v3 =	vadd.f32 v4, v2  }
0x2d8: {  	s9 =	simm.s32 $0xED00;
	s18 =	sor.u32 s7, s15;
	v2 =	vld [tilespmem:s17+$0x0];
	v4 =	vadd.f32 v5, v1  }
0x2d9: {  	s14 =	sor.u32 s8, s14;
	s16 =	sand.u32 $0x380, s10;
	s17 =	sadd.s32 $0xDC00, s12;
	v1 =	vld [tilespmem:s18+$0x0];
	v6 =	vadd.f32 v6, v3  }
0x2da: {  	s10 =	simm.s32 $0x2;
	s11 =	sor.u32 s11, s16;
	s16 =	sor.u32 s7, s17;
	v5 =	vpop (erf);
	v3 =	vld [tilespmem:s14+$0x0];
	v8 =	vadd.f32 v8, v4  }
0x2db: {  	s18 =	sor.u32 s8, s15;
	s15 =	sadd.s32 $0xDC80, s12;
	s12 =	simm.s32 $0x40;
	v4 =	vld [tilespmem:s16+$0x0];
	[tilespmem:s11+$0xED00] =	vst v5;
	v5 =	vpop (erf);
	v7 =	vadd.f32 v7, v6  }
0x2dc: {  	s14 =	sor.u32 s8, s17;
	s16 =	sor.u32 s7, s15;
	s11 =	simm.s32 $0x200;
	[tilespmem:s9+$0x0] =	vst v5;
	v5 =	vld [tilespmem:s18+$0x0];
	v6 =	vadd.f32 v63, v8  }
.LBB2_24:
0x2dd: {  	s13 =	sand.u32 $0x1C00, s11;
	v2 =	vadd.f32 v2, v7;
	s15 =	sor.u32 s8, s15;
	s8 =	sand.u32 $0x60, s12;
	v7 =	vld [tilespmem:s16+$0x0]  }
0x2de: {  	s10 =	sadd.s32 $0x2, s10;
	s16 =	sadd.s32 $0xC500, s13;
	s17 =	sor.u32 $0x10, s8;
	v8 =	vld [tilespmem:s14+$0x0];
	v1 =	vadd.f32 v1, v6  }
0x2df: {  	p0 =	slt.u32 s10, $0x26;
	s14 =	sor.u32 s8, s16;
	s16 =	sor.u32 s17, s16;
	v2 =	vadd.f32 v3, v2;
	v3 =	vld [tilespmem:s15+$0x0]  }
0x2e0: {  	v6 =	vld [tilespmem:s16+$0x0];
	v1 =	vadd.f32 v4, v1  }
0x2e1: {  	v4 =	vld [tilespmem:s16+$0x80];
	v2 =	vadd.f32 v5, v2  }
0x2e2: {  	v5 =	vld [tilespmem:s14+$0x0];
	v1 =	vadd.f32 v7, v1  }
0x2e3: {  	v7 =	vld [tilespmem:s16+$0x100];
	v2 =	vadd.f32 v8, v2  }
0x2e4: {  	v8 =	vld [tilespmem:s14+$0x80];
	(erf) = vrcp.f32 v1  }
0x2e5: {  	v1 =	vld [tilespmem:s16+$0x180];
	v2 =	vadd.f32 v3, v2  }
0x2e6: {  	v3 =	vld [tilespmem:s14+$0x100];
	v4 =	vadd.f32 v4, v6  }
0x2e7: {  	v6 =	vld [tilespmem:s16+$0x200];
	(erf) = vrcp.f32 v2  }
0x2e8: {  	v2 =	vld [tilespmem:s14+$0x180];
	v4 =	vadd.f32 v7, v4  }
0x2e9: {  	v5 =	vadd.f32 v8, v5;
	v7 =	vld [tilespmem:s16+$0x280]  }
0x2ea: {  	v8 =	vld [tilespmem:s14+$0x200];
	v1 =	vadd.f32 v1, v4  }
0x2eb: {  	v3 =	vadd.f32 v3, v5;
	v4 =	vld [tilespmem:s16+$0x300]  }
0x2ec: {  	s15 =	sand.u32 $0x380, s6;
	s6 =	smov.u32 s12;
	v5 =	vld [tilespmem:s14+$0x280];
	v1 =	vadd.f32 v6, v1  }
0x2ed: {  	s18 =	sadd.s32 $0xD900, s13;
	s15 =	sor.u32 s7, s15;
	s7 =	smov.u32 s17;
	v2 =	vadd.f32 v2, v3;
	v3 =	vld [tilespmem:s16+$0x380];
	v6 =	vpop (erf)  }
0x2ee: {  	s17 =	sor.u32 s7, s18;
	s16 =	sor.u32 s8, s18;
	v9 =	vld [tilespmem:s14+$0x300];
	v1 =	vadd.f32 v7, v1;
	[tilespmem:s15+$0xED00] =	vst v6  }
0x2ef: {  	s15 =	sadd.s32 $0xD980, s13;
	v2 =	vadd.f32 v8, v2;
	v6 =	vld [tilespmem:s17+$0x0]  }
0x2f0: {  	s9 =	sadd.s32 $0x20, s9;
	v7 =	vld [tilespmem:s14+$0x380];
	s14 =	sor.u32 s8, s15;
	v1 =	vadd.f32 v4, v1;
	s15 =	sor.u32 s7, s15;
	v4 =	vpop (erf)  }
0x2f1: {  	s17 =	sadd.s32 $0xDA00, s13;
	v2 =	vadd.f32 v5, v2;
	v5 =	vld [tilespmem:s15+$0x0];
	[tilespmem:s9+$0x0] =	vst v4  }
0x2f2: {  	s15 =	sor.u32 s8, s17;
	v4 =	vld [tilespmem:s16+$0x0];
	v1 =	vadd.f32 v3, v1;
	s16 =	sor.u32 s7, s17  }
0x2f3: {  	s17 =	sadd.s32 $0xDA80, s13;
	v2 =	vadd.f32 v9, v2;
	v3 =	vld [tilespmem:s16+$0x0]  }
0x2f4: {  	s16 =	sor.u32 s7, s17;
	v8 =	vld [tilespmem:s14+$0x0];
	s14 =	sor.u32 s8, s17;
	v1 =	vadd.f32 v6, v1  }
0x2f5: {  	s17 =	sadd.s32 $0xDB00, s13;
	v2 =	vadd.f32 v7, v2;
	v6 =	vld [tilespmem:s16+$0x0]  }
0x2f6: {  	s16 =	sor.u32 s7, s17;
	v7 =	vld [tilespmem:s15+$0x0];
	s15 =	sor.u32 s8, s17;
	v1 =	vadd.f32 v5, v1  }
0x2f7: {  	s17 =	sadd.s32 $0xDB80, s13;
	v4 =	vadd.f32 v4, v2;
	v9 =	vld [tilespmem:s16+$0x0]  }
.Ltmp11:
0x2f8: {  	s16 =	sor.u32 s8, s17;
	v2 =	vld [tilespmem:s14+$0x0];
	v5 =	vadd.f32 v3, v1;
	s14 =	sor.u32 s7, s17;
	(pc) =	sbr.rel @p0 .LBB2_24-.Ltmp11, $4  }
0x2f9: {  	s17 =	sadd.s32 $0xDC00, s13;
	v4 =	vadd.f32 v8, v4;
	v1 =	vld [tilespmem:s14+$0x0]  }
0x2fa: {  	s14 =	sor.u32 s8, s17;
	s17 =	sor.u32 s7, s17;
	v3 =	vld [tilespmem:s15+$0x0];
	v6 =	vadd.f32 v6, v5  }
0x2fb: {  	s15 =	sadd.s32 $0xDC80, s13;
	v7 =	vadd.f32 v7, v4;
	v4 =	vld [tilespmem:s17+$0x0]  }
0x2fc: {  	s11 =	sadd.s32 $0x100, s11;
	s12 =	sadd.s32 $0x20, s12;
	v5 =	vld [tilespmem:s16+$0x0];
	v6 =	vadd.f32 v9, v6;
	s16 =	sor.u32 s7, s15  }
0x2fd: {  	v2 =	vadd.f32 v2, v7  }
0x2fe: {  	v7 =	vld [tilespmem:s14+$0x0]  }
0x2ff: {  	s8 =	sor.u32 s8, s15;
	v8 =	vld [tilespmem:s16+$0x0];
	v2 =	vadd.f32 v3, v2  }
0x300: {  	v1 =	vadd.f32 v1, v6;
	v3 =	vld [tilespmem:s8+$0x0]  }
0x301: {  	v2 =	vadd.f32 v5, v2  }
0x302: {  	v1 =	vadd.f32 v4, v1  }
0x303: {  	v2 =	vadd.f32 v7, v2  }
0x304: {  	v1 =	vadd.f32 v8, v1  }
0x305: {  	v2 =	vadd.f32 v3, v2  }
0x306: {  	(erf) = vrcp.f32 v1  }
0x307: {  	(erf) = vrcp.f32 v2;
	_ =	sdelay $0x6  }
0x308: {  	s6 =	sand.u32 $0x380, s6  }
0x309: {  	s6 =	sor.u32 s7, s6;
	v1 =	vpop (erf)  }
0x30a: {  	s15 =	sadd.s32 $0x20, s9;
	[tilespmem:s6+$0xED00] =	vst v1;
	v1 =	vpop (erf)  }
0x30b: {  	[tilespmem:s15+$0x0] =	vst v1  }
0x30c: {  	s16 =	simm.s32 $0xED00;
	s6 =	rddreg [dreg:$0x11]  }
0x30d: {  	[spmem:s6] =	stream.linear.scatter [tilespmem:s16], [sflag:$0xB], $0x280, $0x38;
	[tilespmem:$0x14180] =	vst v63  }
0x30e: {  	_ =	swait.ge [sflag:s2], $0x280  }
0x30f: {  	[sflag:s2] =	ssyncset.done $0x0  }
0x310: {  	[sflag:s2] =	ssyncadd.s32 $0xFFFFFD80  }
0x311: {  	[bflag:$0x0] =	sbarrier.arrive $0xFFFF  }
0x312: {  	s17 =	rddreg [dreg:$0x3]  }
0x313: {  	[tilespmem:s23], [sflag:$0xB] =	stream.linear.gather [spmem:s17], $0x2800, $0x38;
	[tilespmem:$0x14180] =	vst v63  }
0x314: {  	_ =	swait.ge [sflag:s2], $0x2800  }
0x315: {  	[sflag:s2] =	ssyncset.done $0x0  }
0x316: {  	[sflag:s2] =	ssyncadd.s32 $0xFFFFD800  }
0x317: {  	v1 =	vld [tilespmem:s21+$0x0]  }
0x318: {  	v2 =	vld [tilespmem:s21+$0xFFFFFFE0]  }
0x319: {  	v3 =	vld [tilespmem:s21+$0xFFFFFFD0]  }
0x31a: {  	v4 =	vld [tilespmem:s21+$0xFFFFFFF0]  }
0x31b: {  	s18 =	sadd.s32 $0x40, s21;
	v7 =	vld [tilespmem:s20+$0x10]  }
0x31c: {  	v5 =	vld [tilespmem:s18+$0x0]  }
0x31d: {  	v10 =	vld [tilespmem:s18+$0xFFFFFFE0]  }
0x31e: {  	v11 =	vld [tilespmem:s18+$0xFFFFFFD0]  }
0x31f: {  	v12 =	vld [tilespmem:s20+$0xFFFFFFE0]  }
0x320: {  	v13 =	vld [tilespmem:s20+$0xFFFFFFF0]  }
0x321: {  	v6 =	vld [tilespmem:s20+$0x0]  }
0x322: {  	v1 =	vld.idx.msk [tilespmem:v1+s23+$0x0], $0xffff  }
0x323: {  	v9 =	vld.idx.msk [tilespmem:v2+s23+$0x0], $0xffff  }
0x324: {  	v8 =	vld.idx.msk [tilespmem:v3+s23+$0x0], $0xffff  }
0x325: {  	v2 =	vld [tilespmem:s18+$0xFFFFFFF0]  }
0x326: {  	v3 =	vld.idx.msk [tilespmem:v4+s23+$0x0], $0xffff  }
0x327: {  	s7 =	sadd.s32 $0x40, s20;
	v5 =	vld.idx.msk [tilespmem:v5+s23+$0x0], $0xffff  }
0x328: {  	v1 =	vmul.f32 v1, v7;
	v7 =	vld [tilespmem:s7+$0x10]  }
0x329: {  	s6 =	simm.s32 $0xEFA0;
	v4 =	vld.idx.msk [tilespmem:v10+s23+$0x0], $0xffff;
	v8 =	vmul.f32 v8, v12  }
0x32a: {  	s9 =	sadd.s32 $0x40, s18;
	s8 =	simm.s32 $0x4;
	v9 =	vmul.f32 v9, v13;
	[tilespmem:s6+$0x10] =	vst v1;
	v1 =	vld.idx.msk [tilespmem:v11+s23+$0x0], $0xffff  }
.LBB2_26:
0x32b: {  	v10 =	vld [tilespmem:s9+$0x0];
	s8 =	sadd.s32 $0x4, s8;
	[tilespmem:s6+$0xFFFFFFE0] =	vst v8;
	v3 =	vmul.f32 v3, v6  }
0x32c: {  	v8 =	vld [tilespmem:s9+$0xFFFFFFE0];
	p0 =	slt.u32 s8, $0x26C;
	[tilespmem:s6+$0xFFFFFFF0] =	vst v9  }
0x32d: {  	v9 =	vld [tilespmem:s9+$0xFFFFFFF0];
	v5 =	vmul.f32 v5, v7;
	[tilespmem:s6+$0x0] =	vst v3  }
0x32e: {  	s6 =	sadd.s32 $0x40, s6;
	v11 =	vld [tilespmem:s9+$0xFFFFFFD0]  }
0x32f: {  	v12 =	vmov v4;
	v3 =	vld.idx.msk [tilespmem:v2+s23+$0x0], $0xffff;
	[tilespmem:s6+$0x10] =	vst v5  }
0x330: {  	v13 =	vld [tilespmem:s7+$0xFFFFFFE0]  }
0x331: {  	v14 =	vld [tilespmem:s7+$0xFFFFFFF0]  }
.Ltmp12:
0x332: {  	v6 =	vld [tilespmem:s7+$0x0];
	v2 =	vmov v9;
	(pc) =	sbr.rel @p0 .LBB2_26-.Ltmp12, $4  }
0x333: {  	s7 =	sadd.s32 $0x40, s7;
	v5 =	vld.idx.msk [tilespmem:v10+s23+$0x0], $0xffff  }
0x334: {  	v7 =	vld [tilespmem:s7+$0x10]  }
0x335: {  	v4 =	vld.idx.msk [tilespmem:v8+s23+$0x0], $0xffff;
	v8 =	vmul.f32 v1, v13  }
0x336: {  	s9 =	sadd.s32 $0x40, s9;
	v1 =	vld.idx.msk [tilespmem:v11+s23+$0x0], $0xffff;
	v9 =	vmul.f32 v12, v14  }
0x337: {  	_ =	sdelay $0x3  }
0x338: {  	v2 =	vld.idx.msk [tilespmem:v2+s23+$0x0], $0xffff  }
0x339: {  	v10 =	vld [tilespmem:s7+$0xFFFFFFE0]  }
0x33a: {  	v11 =	vld [tilespmem:s7+$0xFFFFFFF0]  }
0x33b: {  	v12 =	vld [tilespmem:s7+$0x0]  }
0x33c: {  	[tilespmem:s6+$0xFFFFFFE0] =	vst v8;
	v3 =	vmul.f32 v3, v6  }
0x33d: {  	[tilespmem:s6+$0xFFFFFFF0] =	vst v9;
	v5 =	vmul.f32 v5, v7  }
0x33e: {  	s17 =	sadd.s32 $0x40, s6;
	[tilespmem:s6+$0x0] =	vst v3;
	v1 =	vmul.f32 v1, v10  }
0x33f: {  	[tilespmem:s17+$0x10] =	vst v5;
	v3 =	vmul.f32 v4, v11  }
0x340: {  	[tilespmem:s17+$0xFFFFFFE0] =	vst v1;
	v1 =	vmul.f32 v2, v12  }
0x341: {  	[tilespmem:s17+$0xFFFFFFF0] =	vst v3  }
0x342: {  	[tilespmem:s17+$0x0] =	vst v1  }
0x343: {  	v1 =	vld [tilespmem:s4+$0x2710];
	_ =	sdelay $0x6  }
0x344: {  	v2 =	vld [tilespmem:s4+$0x7580]  }
0x345: {  	v1 =	vld.idx.msk [tilespmem:v1+s23+$0x0], $0xffff;
	_ =	sdelay $0x4  }
0x346: {  	s5 =	sadd.s32 $0x1, s5;
	v1 =	vmul.f32 v1, v2  }
0x347: {  	p0 =	sne.s32 s5, s19  }
.Ltmp13:
0x348: {  	s18 =	simm.s32 $0xEF80;
	s6 =	rddreg [dreg:$0x12];
	[tilespmem:$0x11680] =	vst v1;
	(pc) =	sbr.rel @p0 .LBB2_1-.Ltmp13, $4  }
0x349: {  	[hbm4b:s6+s3] =	stream.linear.scatter [tilespmem:s18], [sflag:$0xB], $0x2710, $0x38;
	[tilespmem:$0x14180] =	vst v63  }
0x34a: {  	_ =	swait.ge [sflag:s2], $0x2710  }
0x34b: {  	[sflag:s2] =	ssyncset.done $0x0  }
0x34c: {  	[sflag:s2] =	ssyncadd.s32 $0xFFFFD8F0  }
0x34d: {  	_ =	sfence.sel $0x180000  }
0x34e: {  	[bflag:$0x0] =	sbarrier.arrive $0xFFFF  }
0x34f: {  	_ =	strace $0x90000047  }
0x350: {  	s0 =	stileid.u32;
	[bflag:$0x2] =	sbarrier.arrive $0xFFFF  }
0x351: {  	p0 =	sne.s32 s0, $0x0;
	s0 =	rddreg [dreg:$0x4]  }
0x352: {  	s0 =	sadd.s32 @!p0 $0x100000, s0  }
0x353: {  	[sflag:s0] =	ssyncadd.tile.s32 @!p0 $0x1;
	_ =	shalt  }
.Lfunc_end2:
_tile_overlayer_lowered:
.L_overlay_start_2:
0x354: {  	(tag) =	ssettag $0x2  }
0x355: {  	s0 =	rddreg [dreg:$0x0];
	s2 =	stileid.u32  }
0x356: {  	s1 =	rddreg [dreg:$0x1];
	p0 =	sne.s32 s2, $0x0  }
0x357: {  	s3 =	rddreg [dreg:$0x2];
	[bflag:$0x3] =	sbarrier.arrive $0xFFFF;
	s2 =	simm.s32 @!p0 $0x1C0B  }
0x358: {  	[timem:s3], [sflag:s2] =	dma.local @!p0 [hbm:s0], s1  }
0x359: {  	s0 =	simm.s32 @!p0 $0xB  }
0x35a: {  	_ =	swait.ge @!p0 [sflag:s0], s1  }
0x35b: {  	s1 =	ssub.s32 @!p0 $0x0, s1;
	[sflag:s0] =	ssyncset.done @!p0 $0x0  }
0x35c: {  	[sflag:s0] =	ssyncadd.s32 @!p0 s1  }
0x35d: {  	[bflag:$0x3] =	sbarrier.arrive $0xFFFF  }
0x35e: {  	_ =	shalt  }

</sc_bundles>
